<compile_context>
chip_gen: v7x
topology: tpu7x:2x2x1
jax: 0.10.2.dev20260603
libtpu: 0.0.44.dev20260713+nightly
codegen_flags: <defaults>
</compile_context>

<pallas_src>
import functools

import jax
import jax.numpy as jnp
from jax import lax
from jax.experimental import pallas as pl
from jax.experimental.pallas import tpu as pltpu
from jax.experimental.pallas import tpu_sc as plsc

VOCAB = 1_000_000
D = 64
BATCH = 4096
LENGTH = 200
B_TOTAL = BATCH * LENGTH

NC = 2
NS = 16
NW = NC * NS
B_PER_W = B_TOTAL // NW
CHUNK = 800
NCHUNK = B_PER_W // CHUNK
NPAIR = NCHUNK // 2
KSPLIT = 4


ROWS_PER_CHUNK = CHUNK // LENGTH
ROWS_PER_W = B_PER_W // LENGTH


def _gather_body(idx_hbm, table_hbm, out_hbm3d, idx_v, rows_v, gsem, wsem):
    wid = lax.axis_index("s") * NC + lax.axis_index("c")

    pltpu.sync_copy(idx_hbm.at[pl.ds(wid * ROWS_PER_W, ROWS_PER_W)], idx_v)

    def gather_part(c, buf, k):
        return pltpu.make_async_copy(
            table_hbm.at[idx_v.at[c * ROWS_PER_CHUNK + k]],
            rows_v.at[buf, k],
            gsem,
        )

    def write(c, buf):
        row0 = wid * ROWS_PER_W + c * ROWS_PER_CHUNK
        return pltpu.make_async_copy(
            rows_v.at[buf],
            out_hbm3d.at[pl.ds(row0, ROWS_PER_CHUNK)],
            wsem,
        )

    for j in range(2):
        for k in range(KSPLIT):
            gather_part(j, j, k).start()
        for k in range(KSPLIT):
            gather_part(j, j, k).wait()
        write(j, j).start()

    def pair(p, _):
        for j in range(2):
            c = 2 * p + j
            write(c - 2, j).wait()
            for k in range(KSPLIT):
                gather_part(c, j, k).start()
            for k in range(KSPLIT):
                gather_part(c, j, k).wait()
            write(c, j).start()
        return ()

    lax.fori_loop(1, NPAIR, pair, ())

    write(NCHUNK - 2, 0).wait()
    write(NCHUNK - 1, 1).wait()


_gather = functools.partial(
    pl.kernel,
    out_type=jax.ShapeDtypeStruct((BATCH, LENGTH, D), jnp.float32),
    mesh=plsc.VectorSubcoreMesh(core_axis_name="c", subcore_axis_name="s"),
    compiler_params=pltpu.CompilerParams(use_tc_tiling_on_sc=False),
    scratch_types=[
        pltpu.VMEM((ROWS_PER_W, LENGTH), jnp.int32),
        pltpu.VMEM((2, ROWS_PER_CHUNK, LENGTH, D), jnp.float32),
        pltpu.SemaphoreType.DMA,
        pltpu.SemaphoreType.DMA,
    ],
)(_gather_body)


@jax.jit
def kernel(inputs, shared_weights):
    return _gather(inputs.astype(jnp.int32), shared_weights)

# --- scband reference (transcript-rebuilt; emitter-appended) ---
"""Pipeline reference for scband-shared-embedding-layer-3169685865154 (READ-ONLY COPY).

The authoritative reference and input builder live on the scoring server;
editing this copy changes nothing except your own understanding.
"""

import jax, jax.numpy as jnp
import numpy as np

VOCAB_SIZE = 1000000
EMBEDDING_SIZE = 64
BATCH = 4096
LENGTH = 200


def setup_inputs(seed: int = 0) -> dict:
    key = jax.random.key(seed)
    k1, k2 = jax.random.split(key)
    inputs = jax.random.randint(k1, (BATCH, LENGTH), 0, VOCAB_SIZE, dtype=jnp.int64 if jax.config.jax_enable_x64 else jnp.int32)
    shared_weights = jax.random.normal(k2, (VOCAB_SIZE, EMBEDDING_SIZE), dtype=jnp.float32) * (EMBEDDING_SIZE ** -0.5)
    return {"inputs": inputs, "shared_weights": shared_weights}


def reference(inputs, shared_weights):
    # mode='embedding' path of SharedEmbeddingLayer: tf.gather(shared_weights, inputs)
    embeddings = jnp.take(shared_weights, inputs, axis=0)
    return embeddings

if __name__ == "__main__":
    import jax
    _d = setup_inputs()
    print(jax.jit(kernel)(*tuple(_d.values())))

</pallas_src>

<mosaic_0001>
#map = affine_map<(d0, d1) -> (0, 0)>
#map1 = affine_map<(d0, d1) -> (0, 0, 0)>
module attributes {stable_mosaic.version = 14 : i64} {
  func.func @_gather_body(%arg0: i32, %arg1: i32, %arg2: memref<4096x200xi32, #tpu.memory_space<hbm>>, %arg3: memref<1000000x64xf32, #tpu.memory_space<hbm>>, %arg4: memref<4096x200x64xf32, #tpu.memory_space<hbm>>, %arg5: memref<128x200xi32, #tpu.memory_space<vmem>>, %arg6: memref<2x4x200x64xf32, #tpu.memory_space<vmem>>, %arg7: memref<!tpu.dma_semaphore, #tpu.memory_space<semaphore_mem>>, %arg8: memref<!tpu.dma_semaphore, #tpu.memory_space<semaphore_mem>>) attributes {dimension_semantics = [#tpu.dimension_semantics<core_parallel>, #tpu.dimension_semantics<subcore_parallel>], iteration_bounds = array<i64: 2, 16>, scalar_prefetch = 0 : i64, scratch_operands = 4 : i64, tpu.core_type = #tpu.core_type<sc_vector_subcore>, window_params = [{transform_indices = #map}, {transform_indices = #map}, {transform_indices = #map1}]} {
    %mul3A = arith.constant 2 : i32
    %mul3A_0 = arith.muli %arg1, %mul3A : i32
    %add3A = arith.addi %mul3A_0, %arg0 : i32
    %mul3A_1 = arith.constant 128 : i32
    %mul3A_2 = arith.muli %add3A, %mul3A_1 : i32
    "tpu.region"() ({
      %run_scoped3A = tpu.sem_alloc : memref<!tpu.dma_semaphore, #tpu.memory_space<semaphore_mem>>
      %dma_start3A_297 = arith.constant 0 : i32
      %dma_start3A_298 = tpu.memref_slice %arg2[%mul3A_2, %dma_start3A_297] : memref<4096x200xi32, #tpu.memory_space<hbm>> -> memref<128x200xi32, #tpu.memory_space<hbm>>
      %dma_start3A_299 = arith.constant 0 : i32
      %dma_start3A_300 = tpu.memref_slice %arg2[%mul3A_2, %dma_start3A_299] : memref<4096x200xi32, #tpu.memory_space<hbm>> -> memref<128x200xi32, #tpu.memory_space<hbm>>
      tpu.enqueue_dma source(%dma_start3A_300 : memref<128x200xi32, #tpu.memory_space<hbm>>) target(%arg5 : memref<128x200xi32, #tpu.memory_space<vmem>>) target_semaphore(%run_scoped3A : memref<!tpu.dma_semaphore, #tpu.memory_space<semaphore_mem>>)
      %dma_wait3A_301 = arith.constant 0 : i32
      %dma_wait3A_302 = tpu.memref_slice %arg2[%mul3A_2, %dma_wait3A_301] : memref<4096x200xi32, #tpu.memory_space<hbm>> -> memref<128x200xi32, #tpu.memory_space<hbm>>
      %dma_wait3A_303 = arith.constant 0 : i32
      %dma_wait3A_304 = tpu.memref_slice %arg2[%mul3A_2, %dma_wait3A_303] : memref<4096x200xi32, #tpu.memory_space<hbm>> -> memref<128x200xi32, #tpu.memory_space<hbm>>
      tpu.wait_dma2 semaphore(%run_scoped3A : memref<!tpu.dma_semaphore, #tpu.memory_space<semaphore_mem>>) src(%dma_wait3A_304 : memref<128x200xi32, #tpu.memory_space<hbm>>) dst(%arg5 : memref<128x200xi32, #tpu.memory_space<vmem>>)
      tpu.yield
    }) : () -> ()
    %dma_start3A = arith.constant 0 : i32
    %dma_start3A_3 = arith.constant 0 : i32
    %dma_start3A_4 = arith.constant 0 : i32
    %dma_start3A_5 = arith.constant 0 : i32
    %dma_start3A_6 = arith.constant 0 : i32
    %dma_start3A_7 = tpu.memref_slice %arg6[%dma_start3A_3, %dma_start3A_4, %dma_start3A_5, %dma_start3A_6] : memref<2x4x200x64xf32, #tpu.memory_space<vmem>> -> memref<1x1x200x64xf32, #tpu.memory_space<vmem>>
    %dma_start3A_8 = tpu.memref_squeeze %dma_start3A_7 : memref<1x1x200x64xf32, #tpu.memory_space<vmem>> -> memref<200x64xf32, #tpu.memory_space<vmem>>
    %dma_start3A_9 = arith.constant 0 : i32
    %dma_start3A_10 = tpu.memref_slice %arg5[%dma_start3A, %dma_start3A_9] : memref<128x200xi32, #tpu.memory_space<vmem>> -> memref<1x200xi32, #tpu.memory_space<vmem>>
    %dma_start3A_11 = tpu.memref_squeeze %dma_start3A_10 : memref<1x200xi32, #tpu.memory_space<vmem>> -> memref<200xi32, #tpu.memory_space<vmem>>
    %dma_start3A_12 = arith.constant 0 : i32
    %dma_start3A_13 = arith.constant 0 : i32
    %dma_start3A_14 = tpu.memref_slice %arg3[%dma_start3A_12, %dma_start3A_13] : memref<1000000x64xf32, #tpu.memory_space<hbm>> -> memref<1000000x64xf32, #tpu.memory_space<hbm>>
    tpu.enqueue_indirect_dma source(%dma_start3A_14 : memref<1000000x64xf32, #tpu.memory_space<hbm>>) target(%dma_start3A_8 : memref<200x64xf32, #tpu.memory_space<vmem>>) offsets(%dma_start3A_11 : memref<200xi32, #tpu.memory_space<vmem>>) semaphore(%arg7 : memref<!tpu.dma_semaphore, #tpu.memory_space<semaphore_mem>>)
    %dma_start3A_15 = arith.constant 1 : i32
    %dma_start3A_16 = arith.constant 0 : i32
    %dma_start3A_17 = arith.constant 1 : i32
    %dma_start3A_18 = arith.constant 0 : i32
    %dma_start3A_19 = arith.constant 0 : i32
    %dma_start3A_20 = tpu.memref_slice %arg6[%dma_start3A_16, %dma_start3A_17, %dma_start3A_18, %dma_start3A_19] : memref<2x4x200x64xf32, #tpu.memory_space<vmem>> -> memref<1x1x200x64xf32, #tpu.memory_space<vmem>>
    %dma_start3A_21 = tpu.memref_squeeze %dma_start3A_20 : memref<1x1x200x64xf32, #tpu.memory_space<vmem>> -> memref<200x64xf32, #tpu.memory_space<vmem>>
    %dma_start3A_22 = arith.constant 0 : i32
    %dma_start3A_23 = tpu.memref_slice %arg5[%dma_start3A_15, %dma_start3A_22] : memref<128x200xi32, #tpu.memory_space<vmem>> -> memref<1x200xi32, #tpu.memory_space<vmem>>
    %dma_start3A_24 = tpu.memref_squeeze %dma_start3A_23 : memref<1x200xi32, #tpu.memory_space<vmem>> -> memref<200xi32, #tpu.memory_space<vmem>>
    %dma_start3A_25 = arith.constant 0 : i32
    %dma_start3A_26 = arith.constant 0 : i32
    %dma_start3A_27 = tpu.memref_slice %arg3[%dma_start3A_25, %dma_start3A_26] : memref<1000000x64xf32, #tpu.memory_space<hbm>> -> memref<1000000x64xf32, #tpu.memory_space<hbm>>
    tpu.enqueue_indirect_dma source(%dma_start3A_27 : memref<1000000x64xf32, #tpu.memory_space<hbm>>) target(%dma_start3A_21 : memref<200x64xf32, #tpu.memory_space<vmem>>) offsets(%dma_start3A_24 : memref<200xi32, #tpu.memory_space<vmem>>) semaphore(%arg7 : memref<!tpu.dma_semaphore, #tpu.memory_space<semaphore_mem>>)
    %dma_start3A_28 = arith.constant 2 : i32
    %dma_start3A_29 = arith.constant 0 : i32
    %dma_start3A_30 = arith.constant 2 : i32
    %dma_start3A_31 = arith.constant 0 : i32
    %dma_start3A_32 = arith.constant 0 : i32
    %dma_start3A_33 = tpu.memref_slice %arg6[%dma_start3A_29, %dma_start3A_30, %dma_start3A_31, %dma_start3A_32] : memref<2x4x200x64xf32, #tpu.memory_space<vmem>> -> memref<1x1x200x64xf32, #tpu.memory_space<vmem>>
    %dma_start3A_34 = tpu.memref_squeeze %dma_start3A_33 : memref<1x1x200x64xf32, #tpu.memory_space<vmem>> -> memref<200x64xf32, #tpu.memory_space<vmem>>
    %dma_start3A_35 = arith.constant 0 : i32
    %dma_start3A_36 = tpu.memref_slice %arg5[%dma_start3A_28, %dma_start3A_35] : memref<128x200xi32, #tpu.memory_space<vmem>> -> memref<1x200xi32, #tpu.memory_space<vmem>>
    %dma_start3A_37 = tpu.memref_squeeze %dma_start3A_36 : memref<1x200xi32, #tpu.memory_space<vmem>> -> memref<200xi32, #tpu.memory_space<vmem>>
    %dma_start3A_38 = arith.constant 0 : i32
    %dma_start3A_39 = arith.constant 0 : i32
    %dma_start3A_40 = tpu.memref_slice %arg3[%dma_start3A_38, %dma_start3A_39] : memref<1000000x64xf32, #tpu.memory_space<hbm>> -> memref<1000000x64xf32, #tpu.memory_space<hbm>>
    tpu.enqueue_indirect_dma source(%dma_start3A_40 : memref<1000000x64xf32, #tpu.memory_space<hbm>>) target(%dma_start3A_34 : memref<200x64xf32, #tpu.memory_space<vmem>>) offsets(%dma_start3A_37 : memref<200xi32, #tpu.memory_space<vmem>>) semaphore(%arg7 : memref<!tpu.dma_semaphore, #tpu.memory_space<semaphore_mem>>)
    %dma_start3A_41 = arith.constant 3 : i32
    %dma_start3A_42 = arith.constant 0 : i32
    %dma_start3A_43 = arith.constant 3 : i32
    %dma_start3A_44 = arith.constant 0 : i32
    %dma_start3A_45 = arith.constant 0 : i32
    %dma_start3A_46 = tpu.memref_slice %arg6[%dma_start3A_42, %dma_start3A_43, %dma_start3A_44, %dma_start3A_45] : memref<2x4x200x64xf32, #tpu.memory_space<vmem>> -> memref<1x1x200x64xf32, #tpu.memory_space<vmem>>
    %dma_start3A_47 = tpu.memref_squeeze %dma_start3A_46 : memref<1x1x200x64xf32, #tpu.memory_space<vmem>> -> memref<200x64xf32, #tpu.memory_space<vmem>>
    %dma_start3A_48 = arith.constant 0 : i32
    %dma_start3A_49 = tpu.memref_slice %arg5[%dma_start3A_41, %dma_start3A_48] : memref<128x200xi32, #tpu.memory_space<vmem>> -> memref<1x200xi32, #tpu.memory_space<vmem>>
    %dma_start3A_50 = tpu.memref_squeeze %dma_start3A_49 : memref<1x200xi32, #tpu.memory_space<vmem>> -> memref<200xi32, #tpu.memory_space<vmem>>
    %dma_start3A_51 = arith.constant 0 : i32
    %dma_start3A_52 = arith.constant 0 : i32
    %dma_start3A_53 = tpu.memref_slice %arg3[%dma_start3A_51, %dma_start3A_52] : memref<1000000x64xf32, #tpu.memory_space<hbm>> -> memref<1000000x64xf32, #tpu.memory_space<hbm>>
    tpu.enqueue_indirect_dma source(%dma_start3A_53 : memref<1000000x64xf32, #tpu.memory_space<hbm>>) target(%dma_start3A_47 : memref<200x64xf32, #tpu.memory_space<vmem>>) offsets(%dma_start3A_50 : memref<200xi32, #tpu.memory_space<vmem>>) semaphore(%arg7 : memref<!tpu.dma_semaphore, #tpu.memory_space<semaphore_mem>>)
    %dma_wait3A = arith.constant 0 : i32
    %dma_wait3A_54 = arith.constant 0 : i32
    %dma_wait3A_55 = arith.constant 0 : i32
    %dma_wait3A_56 = arith.constant 0 : i32
    %dma_wait3A_57 = arith.constant 0 : i32
    %dma_wait3A_58 = tpu.memref_slice %arg6[%dma_wait3A_54, %dma_wait3A_55, %dma_wait3A_56, %dma_wait3A_57] : memref<2x4x200x64xf32, #tpu.memory_space<vmem>> -> memref<1x1x200x64xf32, #tpu.memory_space<vmem>>
    %dma_wait3A_59 = tpu.memref_squeeze %dma_wait3A_58 : memref<1x1x200x64xf32, #tpu.memory_space<vmem>> -> memref<200x64xf32, #tpu.memory_space<vmem>>
    %dma_wait3A_60 = arith.constant 0 : i32
    %dma_wait3A_61 = tpu.memref_slice %arg5[%dma_wait3A, %dma_wait3A_60] : memref<128x200xi32, #tpu.memory_space<vmem>> -> memref<1x200xi32, #tpu.memory_space<vmem>>
    %dma_wait3A_62 = tpu.memref_squeeze %dma_wait3A_61 : memref<1x200xi32, #tpu.memory_space<vmem>> -> memref<200xi32, #tpu.memory_space<vmem>>
    %dma_wait3A_63 = arith.constant 0 : i32
    %dma_wait3A_64 = arith.constant 0 : i32
    %dma_wait3A_65 = tpu.memref_slice %arg3[%dma_wait3A_63, %dma_wait3A_64] : memref<1000000x64xf32, #tpu.memory_space<hbm>> -> memref<1000000x64xf32, #tpu.memory_space<hbm>>
    tpu.wait_indirect_dma semaphore(%arg7 : memref<!tpu.dma_semaphore, #tpu.memory_space<semaphore_mem>>) src(%dma_wait3A_65 : memref<1000000x64xf32, #tpu.memory_space<hbm>>) dst(%dma_wait3A_59 : memref<200x64xf32, #tpu.memory_space<vmem>>)
    %dma_wait3A_66 = arith.constant 1 : i32
    %dma_wait3A_67 = arith.constant 0 : i32
    %dma_wait3A_68 = arith.constant 1 : i32
    %dma_wait3A_69 = arith.constant 0 : i32
    %dma_wait3A_70 = arith.constant 0 : i32
    %dma_wait3A_71 = tpu.memref_slice %arg6[%dma_wait3A_67, %dma_wait3A_68, %dma_wait3A_69, %dma_wait3A_70] : memref<2x4x200x64xf32, #tpu.memory_space<vmem>> -> memref<1x1x200x64xf32, #tpu.memory_space<vmem>>
    %dma_wait3A_72 = tpu.memref_squeeze %dma_wait3A_71 : memref<1x1x200x64xf32, #tpu.memory_space<vmem>> -> memref<200x64xf32, #tpu.memory_space<vmem>>
    %dma_wait3A_73 = arith.constant 0 : i32
    %dma_wait3A_74 = tpu.memref_slice %arg5[%dma_wait3A_66, %dma_wait3A_73] : memref<128x200xi32, #tpu.memory_space<vmem>> -> memref<1x200xi32, #tpu.memory_space<vmem>>
    %dma_wait3A_75 = tpu.memref_squeeze %dma_wait3A_74 : memref<1x200xi32, #tpu.memory_space<vmem>> -> memref<200xi32, #tpu.memory_space<vmem>>
    %dma_wait3A_76 = arith.constant 0 : i32
    %dma_wait3A_77 = arith.constant 0 : i32
    %dma_wait3A_78 = tpu.memref_slice %arg3[%dma_wait3A_76, %dma_wait3A_77] : memref<1000000x64xf32, #tpu.memory_space<hbm>> -> memref<1000000x64xf32, #tpu.memory_space<hbm>>
    tpu.wait_indirect_dma semaphore(%arg7 : memref<!tpu.dma_semaphore, #tpu.memory_space<semaphore_mem>>) src(%dma_wait3A_78 : memref<1000000x64xf32, #tpu.memory_space<hbm>>) dst(%dma_wait3A_72 : memref<200x64xf32, #tpu.memory_space<vmem>>)
    %dma_wait3A_79 = arith.constant 2 : i32
    %dma_wait3A_80 = arith.constant 0 : i32
    %dma_wait3A_81 = arith.constant 2 : i32
    %dma_wait3A_82 = arith.constant 0 : i32
    %dma_wait3A_83 = arith.constant 0 : i32
    %dma_wait3A_84 = tpu.memref_slice %arg6[%dma_wait3A_80, %dma_wait3A_81, %dma_wait3A_82, %dma_wait3A_83] : memref<2x4x200x64xf32, #tpu.memory_space<vmem>> -> memref<1x1x200x64xf32, #tpu.memory_space<vmem>>
    %dma_wait3A_85 = tpu.memref_squeeze %dma_wait3A_84 : memref<1x1x200x64xf32, #tpu.memory_space<vmem>> -> memref<200x64xf32, #tpu.memory_space<vmem>>
    %dma_wait3A_86 = arith.constant 0 : i32
    %dma_wait3A_87 = tpu.memref_slice %arg5[%dma_wait3A_79, %dma_wait3A_86] : memref<128x200xi32, #tpu.memory_space<vmem>> -> memref<1x200xi32, #tpu.memory_space<vmem>>
    %dma_wait3A_88 = tpu.memref_squeeze %dma_wait3A_87 : memref<1x200xi32, #tpu.memory_space<vmem>> -> memref<200xi32, #tpu.memory_space<vmem>>
    %dma_wait3A_89 = arith.constant 0 : i32
    %dma_wait3A_90 = arith.constant 0 : i32
    %dma_wait3A_91 = tpu.memref_slice %arg3[%dma_wait3A_89, %dma_wait3A_90] : memref<1000000x64xf32, #tpu.memory_space<hbm>> -> memref<1000000x64xf32, #tpu.memory_space<hbm>>
    tpu.wait_indirect_dma semaphore(%arg7 : memref<!tpu.dma_semaphore, #tpu.memory_space<semaphore_mem>>) src(%dma_wait3A_91 : memref<1000000x64xf32, #tpu.memory_space<hbm>>) dst(%dma_wait3A_85 : memref<200x64xf32, #tpu.memory_space<vmem>>)
    %dma_wait3A_92 = arith.constant 3 : i32
    %dma_wait3A_93 = arith.constant 0 : i32
    %dma_wait3A_94 = arith.constant 3 : i32
    %dma_wait3A_95 = arith.constant 0 : i32
    %dma_wait3A_96 = arith.constant 0 : i32
    %dma_wait3A_97 = tpu.memref_slice %arg6[%dma_wait3A_93, %dma_wait3A_94, %dma_wait3A_95, %dma_wait3A_96] : memref<2x4x200x64xf32, #tpu.memory_space<vmem>> -> memref<1x1x200x64xf32, #tpu.memory_space<vmem>>
    %dma_wait3A_98 = tpu.memref_squeeze %dma_wait3A_97 : memref<1x1x200x64xf32, #tpu.memory_space<vmem>> -> memref<200x64xf32, #tpu.memory_space<vmem>>
    %dma_wait3A_99 = arith.constant 0 : i32
    %dma_wait3A_100 = tpu.memref_slice %arg5[%dma_wait3A_92, %dma_wait3A_99] : memref<128x200xi32, #tpu.memory_space<vmem>> -> memref<1x200xi32, #tpu.memory_space<vmem>>
    %dma_wait3A_101 = tpu.memref_squeeze %dma_wait3A_100 : memref<1x200xi32, #tpu.memory_space<vmem>> -> memref<200xi32, #tpu.memory_space<vmem>>
    %dma_wait3A_102 = arith.constant 0 : i32
    %dma_wait3A_103 = arith.constant 0 : i32
    %dma_wait3A_104 = tpu.memref_slice %arg3[%dma_wait3A_102, %dma_wait3A_103] : memref<1000000x64xf32, #tpu.memory_space<hbm>> -> memref<1000000x64xf32, #tpu.memory_space<hbm>>
    tpu.wait_indirect_dma semaphore(%arg7 : memref<!tpu.dma_semaphore, #tpu.memory_space<semaphore_mem>>) src(%dma_wait3A_104 : memref<1000000x64xf32, #tpu.memory_space<hbm>>) dst(%dma_wait3A_98 : memref<200x64xf32, #tpu.memory_space<vmem>>)
    %mul3A_105 = arith.constant 128 : i32
    %mul3A_106 = arith.muli %add3A, %mul3A_105 : i32
    %add3A_107 = arith.constant 0 : i32
    %add3A_108 = arith.addi %mul3A_106, %add3A_107 : i32
    %dma_start3A_109 = arith.constant 0 : i32
    %dma_start3A_110 = arith.constant 0 : i32
    %dma_start3A_111 = arith.constant 0 : i32
    %dma_start3A_112 = arith.constant 0 : i32
    %dma_start3A_113 = tpu.memref_slice %arg6[%dma_start3A_109, %dma_start3A_110, %dma_start3A_111, %dma_start3A_112] : memref<2x4x200x64xf32, #tpu.memory_space<vmem>> -> memref<1x4x200x64xf32, #tpu.memory_space<vmem>>
    %dma_start3A_114 = tpu.memref_squeeze %dma_start3A_113 : memref<1x4x200x64xf32, #tpu.memory_space<vmem>> -> memref<4x200x64xf32, #tpu.memory_space<vmem>>
    %dma_start3A_115 = arith.constant 0 : i32
    %dma_start3A_116 = arith.constant 0 : i32
    %dma_start3A_117 = tpu.memref_slice %arg4[%add3A_108, %dma_start3A_115, %dma_start3A_116] : memref<4096x200x64xf32, #tpu.memory_space<hbm>> -> memref<4x200x64xf32, #tpu.memory_space<hbm>>
    %dma_start3A_118 = arith.constant 0 : i32
    %dma_start3A_119 = arith.constant 0 : i32
    %dma_start3A_120 = tpu.memref_slice %arg4[%add3A_108, %dma_start3A_118, %dma_start3A_119] : memref<4096x200x64xf32, #tpu.memory_space<hbm>> -> memref<4x200x64xf32, #tpu.memory_space<hbm>>
    %dma_start3A_121 = arith.constant 0 : i32
    %dma_start3A_122 = arith.constant 0 : i32
    %dma_start3A_123 = arith.constant 0 : i32
    %dma_start3A_124 = tpu.memref_slice %arg6[%dma_start3A_109, %dma_start3A_121, %dma_start3A_122, %dma_start3A_123] : memref<2x4x200x64xf32, #tpu.memory_space<vmem>> -> memref<1x4x200x64xf32, #tpu.memory_space<vmem>>
    %dma_start3A_125 = tpu.memref_squeeze %dma_start3A_124 : memref<1x4x200x64xf32, #tpu.memory_space<vmem>> -> memref<4x200x64xf32, #tpu.memory_space<vmem>>
    tpu.enqueue_dma source(%dma_start3A_125 : memref<4x200x64xf32, #tpu.memory_space<vmem>>) target(%dma_start3A_120 : memref<4x200x64xf32, #tpu.memory_space<hbm>>) target_semaphore(%arg8 : memref<!tpu.dma_semaphore, #tpu.memory_space<semaphore_mem>>)
    %dma_start3A_126 = arith.constant 4 : i32
    %dma_start3A_127 = arith.constant 1 : i32
    %dma_start3A_128 = arith.constant 0 : i32
    %dma_start3A_129 = arith.constant 0 : i32
    %dma_start3A_130 = arith.constant 0 : i32
    %dma_start3A_131 = tpu.memref_slice %arg6[%dma_start3A_127, %dma_start3A_128, %dma_start3A_129, %dma_start3A_130] : memref<2x4x200x64xf32, #tpu.memory_space<vmem>> -> memref<1x1x200x64xf32, #tpu.memory_space<vmem>>
    %dma_start3A_132 = tpu.memref_squeeze %dma_start3A_131 : memref<1x1x200x64xf32, #tpu.memory_space<vmem>> -> memref<200x64xf32, #tpu.memory_space<vmem>>
    %dma_start3A_133 = arith.constant 0 : i32
    %dma_start3A_134 = tpu.memref_slice %arg5[%dma_start3A_126, %dma_start3A_133] : memref<128x200xi32, #tpu.memory_space<vmem>> -> memref<1x200xi32, #tpu.memory_space<vmem>>
    %dma_start3A_135 = tpu.memref_squeeze %dma_start3A_134 : memref<1x200xi32, #tpu.memory_space<vmem>> -> memref<200xi32, #tpu.memory_space<vmem>>
    %dma_start3A_136 = arith.constant 0 : i32
    %dma_start3A_137 = arith.constant 0 : i32
    %dma_start3A_138 = tpu.memref_slice %arg3[%dma_start3A_136, %dma_start3A_137] : memref<1000000x64xf32, #tpu.memory_space<hbm>> -> memref<1000000x64xf32, #tpu.memory_space<hbm>>
    tpu.enqueue_indirect_dma source(%dma_start3A_138 : memref<1000000x64xf32, #tpu.memory_space<hbm>>) target(%dma_start3A_132 : memref<200x64xf32, #tpu.memory_space<vmem>>) offsets(%dma_start3A_135 : memref<200xi32, #tpu.memory_space<vmem>>) semaphore(%arg7 : memref<!tpu.dma_semaphore, #tpu.memory_space<semaphore_mem>>)
    %dma_start3A_139 = arith.constant 5 : i32
    %dma_start3A_140 = arith.constant 1 : i32
    %dma_start3A_141 = arith.constant 1 : i32
    %dma_start3A_142 = arith.constant 0 : i32
    %dma_start3A_143 = arith.constant 0 : i32
    %dma_start3A_144 = tpu.memref_slice %arg6[%dma_start3A_140, %dma_start3A_141, %dma_start3A_142, %dma_start3A_143] : memref<2x4x200x64xf32, #tpu.memory_space<vmem>> -> memref<1x1x200x64xf32, #tpu.memory_space<vmem>>
    %dma_start3A_145 = tpu.memref_squeeze %dma_start3A_144 : memref<1x1x200x64xf32, #tpu.memory_space<vmem>> -> memref<200x64xf32, #tpu.memory_space<vmem>>
    %dma_start3A_146 = arith.constant 0 : i32
    %dma_start3A_147 = tpu.memref_slice %arg5[%dma_start3A_139, %dma_start3A_146] : memref<128x200xi32, #tpu.memory_space<vmem>> -> memref<1x200xi32, #tpu.memory_space<vmem>>
    %dma_start3A_148 = tpu.memref_squeeze %dma_start3A_147 : memref<1x200xi32, #tpu.memory_space<vmem>> -> memref<200xi32, #tpu.memory_space<vmem>>
    %dma_start3A_149 = arith.constant 0 : i32
    %dma_start3A_150 = arith.constant 0 : i32
    %dma_start3A_151 = tpu.memref_slice %arg3[%dma_start3A_149, %dma_start3A_150] : memref<1000000x64xf32, #tpu.memory_space<hbm>> -> memref<1000000x64xf32, #tpu.memory_space<hbm>>
    tpu.enqueue_indirect_dma source(%dma_start3A_151 : memref<1000000x64xf32, #tpu.memory_space<hbm>>) target(%dma_start3A_145 : memref<200x64xf32, #tpu.memory_space<vmem>>) offsets(%dma_start3A_148 : memref<200xi32, #tpu.memory_space<vmem>>) semaphore(%arg7 : memref<!tpu.dma_semaphore, #tpu.memory_space<semaphore_mem>>)
    %dma_start3A_152 = arith.constant 6 : i32
    %dma_start3A_153 = arith.constant 1 : i32
    %dma_start3A_154 = arith.constant 2 : i32
    %dma_start3A_155 = arith.constant 0 : i32
    %dma_start3A_156 = arith.constant 0 : i32
    %dma_start3A_157 = tpu.memref_slice %arg6[%dma_start3A_153, %dma_start3A_154, %dma_start3A_155, %dma_start3A_156] : memref<2x4x200x64xf32, #tpu.memory_space<vmem>> -> memref<1x1x200x64xf32, #tpu.memory_space<vmem>>
    %dma_start3A_158 = tpu.memref_squeeze %dma_start3A_157 : memref<1x1x200x64xf32, #tpu.memory_space<vmem>> -> memref<200x64xf32, #tpu.memory_space<vmem>>
    %dma_start3A_159 = arith.constant 0 : i32
    %dma_start3A_160 = tpu.memref_slice %arg5[%dma_start3A_152, %dma_start3A_159] : memref<128x200xi32, #tpu.memory_space<vmem>> -> memref<1x200xi32, #tpu.memory_space<vmem>>
    %dma_start3A_161 = tpu.memref_squeeze %dma_start3A_160 : memref<1x200xi32, #tpu.memory_space<vmem>> -> memref<200xi32, #tpu.memory_space<vmem>>
    %dma_start3A_162 = arith.constant 0 : i32
    %dma_start3A_163 = arith.constant 0 : i32
    %dma_start3A_164 = tpu.memref_slice %arg3[%dma_start3A_162, %dma_start3A_163] : memref<1000000x64xf32, #tpu.memory_space<hbm>> -> memref<1000000x64xf32, #tpu.memory_space<hbm>>
    tpu.enqueue_indirect_dma source(%dma_start3A_164 : memref<1000000x64xf32, #tpu.memory_space<hbm>>) target(%dma_start3A_158 : memref<200x64xf32, #tpu.memory_space<vmem>>) offsets(%dma_start3A_161 : memref<200xi32, #tpu.memory_space<vmem>>) semaphore(%arg7 : memref<!tpu.dma_semaphore, #tpu.memory_space<semaphore_mem>>)
    %dma_start3A_165 = arith.constant 7 : i32
    %dma_start3A_166 = arith.constant 1 : i32
    %dma_start3A_167 = arith.constant 3 : i32
    %dma_start3A_168 = arith.constant 0 : i32
    %dma_start3A_169 = arith.constant 0 : i32
    %dma_start3A_170 = tpu.memref_slice %arg6[%dma_start3A_166, %dma_start3A_167, %dma_start3A_168, %dma_start3A_169] : memref<2x4x200x64xf32, #tpu.memory_space<vmem>> -> memref<1x1x200x64xf32, #tpu.memory_space<vmem>>
    %dma_start3A_171 = tpu.memref_squeeze %dma_start3A_170 : memref<1x1x200x64xf32, #tpu.memory_space<vmem>> -> memref<200x64xf32, #tpu.memory_space<vmem>>
    %dma_start3A_172 = arith.constant 0 : i32
    %dma_start3A_173 = tpu.memref_slice %arg5[%dma_start3A_165, %dma_start3A_172] : memref<128x200xi32, #tpu.memory_space<vmem>> -> memref<1x200xi32, #tpu.memory_space<vmem>>
    %dma_start3A_174 = tpu.memref_squeeze %dma_start3A_173 : memref<1x200xi32, #tpu.memory_space<vmem>> -> memref<200xi32, #tpu.memory_space<vmem>>
    %dma_start3A_175 = arith.constant 0 : i32
    %dma_start3A_176 = arith.constant 0 : i32
    %dma_start3A_177 = tpu.memref_slice %arg3[%dma_start3A_175, %dma_start3A_176] : memref<1000000x64xf32, #tpu.memory_space<hbm>> -> memref<1000000x64xf32, #tpu.memory_space<hbm>>
    tpu.enqueue_indirect_dma source(%dma_start3A_177 : memref<1000000x64xf32, #tpu.memory_space<hbm>>) target(%dma_start3A_171 : memref<200x64xf32, #tpu.memory_space<vmem>>) offsets(%dma_start3A_174 : memref<200xi32, #tpu.memory_space<vmem>>) semaphore(%arg7 : memref<!tpu.dma_semaphore, #tpu.memory_space<semaphore_mem>>)
    %dma_wait3A_178 = arith.constant 4 : i32
    %dma_wait3A_179 = arith.constant 1 : i32
    %dma_wait3A_180 = arith.constant 0 : i32
    %dma_wait3A_181 = arith.constant 0 : i32
    %dma_wait3A_182 = arith.constant 0 : i32
    %dma_wait3A_183 = tpu.memref_slice %arg6[%dma_wait3A_179, %dma_wait3A_180, %dma_wait3A_181, %dma_wait3A_182] : memref<2x4x200x64xf32, #tpu.memory_space<vmem>> -> memref<1x1x200x64xf32, #tpu.memory_space<vmem>>
    %dma_wait3A_184 = tpu.memref_squeeze %dma_wait3A_183 : memref<1x1x200x64xf32, #tpu.memory_space<vmem>> -> memref<200x64xf32, #tpu.memory_space<vmem>>
    %dma_wait3A_185 = arith.constant 0 : i32
    %dma_wait3A_186 = tpu.memref_slice %arg5[%dma_wait3A_178, %dma_wait3A_185] : memref<128x200xi32, #tpu.memory_space<vmem>> -> memref<1x200xi32, #tpu.memory_space<vmem>>
    %dma_wait3A_187 = tpu.memref_squeeze %dma_wait3A_186 : memref<1x200xi32, #tpu.memory_space<vmem>> -> memref<200xi32, #tpu.memory_space<vmem>>
    %dma_wait3A_188 = arith.constant 0 : i32
    %dma_wait3A_189 = arith.constant 0 : i32
    %dma_wait3A_190 = tpu.memref_slice %arg3[%dma_wait3A_188, %dma_wait3A_189] : memref<1000000x64xf32, #tpu.memory_space<hbm>> -> memref<1000000x64xf32, #tpu.memory_space<hbm>>
    tpu.wait_indirect_dma semaphore(%arg7 : memref<!tpu.dma_semaphore, #tpu.memory_space<semaphore_mem>>) src(%dma_wait3A_190 : memref<1000000x64xf32, #tpu.memory_space<hbm>>) dst(%dma_wait3A_184 : memref<200x64xf32, #tpu.memory_space<vmem>>)
    %dma_wait3A_191 = arith.constant 5 : i32
    %dma_wait3A_192 = arith.constant 1 : i32
    %dma_wait3A_193 = arith.constant 1 : i32
    %dma_wait3A_194 = arith.constant 0 : i32
    %dma_wait3A_195 = arith.constant 0 : i32
    %dma_wait3A_196 = tpu.memref_slice %arg6[%dma_wait3A_192, %dma_wait3A_193, %dma_wait3A_194, %dma_wait3A_195] : memref<2x4x200x64xf32, #tpu.memory_space<vmem>> -> memref<1x1x200x64xf32, #tpu.memory_space<vmem>>
    %dma_wait3A_197 = tpu.memref_squeeze %dma_wait3A_196 : memref<1x1x200x64xf32, #tpu.memory_space<vmem>> -> memref<200x64xf32, #tpu.memory_space<vmem>>
    %dma_wait3A_198 = arith.constant 0 : i32
    %dma_wait3A_199 = tpu.memref_slice %arg5[%dma_wait3A_191, %dma_wait3A_198] : memref<128x200xi32, #tpu.memory_space<vmem>> -> memref<1x200xi32, #tpu.memory_space<vmem>>
    %dma_wait3A_200 = tpu.memref_squeeze %dma_wait3A_199 : memref<1x200xi32, #tpu.memory_space<vmem>> -> memref<200xi32, #tpu.memory_space<vmem>>
    %dma_wait3A_201 = arith.constant 0 : i32
    %dma_wait3A_202 = arith.constant 0 : i32
    %dma_wait3A_203 = tpu.memref_slice %arg3[%dma_wait3A_201, %dma_wait3A_202] : memref<1000000x64xf32, #tpu.memory_space<hbm>> -> memref<1000000x64xf32, #tpu.memory_space<hbm>>
    tpu.wait_indirect_dma semaphore(%arg7 : memref<!tpu.dma_semaphore, #tpu.memory_space<semaphore_mem>>) src(%dma_wait3A_203 : memref<1000000x64xf32, #tpu.memory_space<hbm>>) dst(%dma_wait3A_197 : memref<200x64xf32, #tpu.memory_space<vmem>>)
    %dma_wait3A_204 = arith.constant 6 : i32
    %dma_wait3A_205 = arith.constant 1 : i32
    %dma_wait3A_206 = arith.constant 2 : i32
    %dma_wait3A_207 = arith.constant 0 : i32
    %dma_wait3A_208 = arith.constant 0 : i32
    %dma_wait3A_209 = tpu.memref_slice %arg6[%dma_wait3A_205, %dma_wait3A_206, %dma_wait3A_207, %dma_wait3A_208] : memref<2x4x200x64xf32, #tpu.memory_space<vmem>> -> memref<1x1x200x64xf32, #tpu.memory_space<vmem>>
    %dma_wait3A_210 = tpu.memref_squeeze %dma_wait3A_209 : memref<1x1x200x64xf32, #tpu.memory_space<vmem>> -> memref<200x64xf32, #tpu.memory_space<vmem>>
    %dma_wait3A_211 = arith.constant 0 : i32
    %dma_wait3A_212 = tpu.memref_slice %arg5[%dma_wait3A_204, %dma_wait3A_211] : memref<128x200xi32, #tpu.memory_space<vmem>> -> memref<1x200xi32, #tpu.memory_space<vmem>>
    %dma_wait3A_213 = tpu.memref_squeeze %dma_wait3A_212 : memref<1x200xi32, #tpu.memory_space<vmem>> -> memref<200xi32, #tpu.memory_space<vmem>>
    %dma_wait3A_214 = arith.constant 0 : i32
    %dma_wait3A_215 = arith.constant 0 : i32
    %dma_wait3A_216 = tpu.memref_slice %arg3[%dma_wait3A_214, %dma_wait3A_215] : memref<1000000x64xf32, #tpu.memory_space<hbm>> -> memref<1000000x64xf32, #tpu.memory_space<hbm>>
    tpu.wait_indirect_dma semaphore(%arg7 : memref<!tpu.dma_semaphore, #tpu.memory_space<semaphore_mem>>) src(%dma_wait3A_216 : memref<1000000x64xf32, #tpu.memory_space<hbm>>) dst(%dma_wait3A_210 : memref<200x64xf32, #tpu.memory_space<vmem>>)
    %dma_wait3A_217 = arith.constant 7 : i32
    %dma_wait3A_218 = arith.constant 1 : i32
    %dma_wait3A_219 = arith.constant 3 : i32
    %dma_wait3A_220 = arith.constant 0 : i32
    %dma_wait3A_221 = arith.constant 0 : i32
    %dma_wait3A_222 = tpu.memref_slice %arg6[%dma_wait3A_218, %dma_wait3A_219, %dma_wait3A_220, %dma_wait3A_221] : memref<2x4x200x64xf32, #tpu.memory_space<vmem>> -> memref<1x1x200x64xf32, #tpu.memory_space<vmem>>
    %dma_wait3A_223 = tpu.memref_squeeze %dma_wait3A_222 : memref<1x1x200x64xf32, #tpu.memory_space<vmem>> -> memref<200x64xf32, #tpu.memory_space<vmem>>
    %dma_wait3A_224 = arith.constant 0 : i32
    %dma_wait3A_225 = tpu.memref_slice %arg5[%dma_wait3A_217, %dma_wait3A_224] : memref<128x200xi32, #tpu.memory_space<vmem>> -> memref<1x200xi32, #tpu.memory_space<vmem>>
    %dma_wait3A_226 = tpu.memref_squeeze %dma_wait3A_225 : memref<1x200xi32, #tpu.memory_space<vmem>> -> memref<200xi32, #tpu.memory_space<vmem>>
    %dma_wait3A_227 = arith.constant 0 : i32
    %dma_wait3A_228 = arith.constant 0 : i32
    %dma_wait3A_229 = tpu.memref_slice %arg3[%dma_wait3A_227, %dma_wait3A_228] : memref<1000000x64xf32, #tpu.memory_space<hbm>> -> memref<1000000x64xf32, #tpu.memory_space<hbm>>
    tpu.wait_indirect_dma semaphore(%arg7 : memref<!tpu.dma_semaphore, #tpu.memory_space<semaphore_mem>>) src(%dma_wait3A_229 : memref<1000000x64xf32, #tpu.memory_space<hbm>>) dst(%dma_wait3A_223 : memref<200x64xf32, #tpu.memory_space<vmem>>)
    %mul3A_230 = arith.constant 128 : i32
    %mul3A_231 = arith.muli %add3A, %mul3A_230 : i32
    %add3A_232 = arith.constant 4 : i32
    %add3A_233 = arith.addi %mul3A_231, %add3A_232 : i32
    %dma_start3A_234 = arith.constant 1 : i32
    %dma_start3A_235 = arith.constant 0 : i32
    %dma_start3A_236 = arith.constant 0 : i32
    %dma_start3A_237 = arith.constant 0 : i32
    %dma_start3A_238 = tpu.memref_slice %arg6[%dma_start3A_234, %dma_start3A_235, %dma_start3A_236, %dma_start3A_237] : memref<2x4x200x64xf32, #tpu.memory_space<vmem>> -> memref<1x4x200x64xf32, #tpu.memory_space<vmem>>
    %dma_start3A_239 = tpu.memref_squeeze %dma_start3A_238 : memref<1x4x200x64xf32, #tpu.memory_space<vmem>> -> memref<4x200x64xf32, #tpu.memory_space<vmem>>
    %dma_start3A_240 = arith.constant 0 : i32
    %dma_start3A_241 = arith.constant 0 : i32
    %dma_start3A_242 = tpu.memref_slice %arg4[%add3A_233, %dma_start3A_240, %dma_start3A_241] : memref<4096x200x64xf32, #tpu.memory_space<hbm>> -> memref<4x200x64xf32, #tpu.memory_space<hbm>>
    %dma_start3A_243 = arith.constant 0 : i32
    %dma_start3A_244 = arith.constant 0 : i32
    %dma_start3A_245 = tpu.memref_slice %arg4[%add3A_233, %dma_start3A_243, %dma_start3A_244] : memref<4096x200x64xf32, #tpu.memory_space<hbm>> -> memref<4x200x64xf32, #tpu.memory_space<hbm>>
    %dma_start3A_246 = arith.constant 0 : i32
    %dma_start3A_247 = arith.constant 0 : i32
    %dma_start3A_248 = arith.constant 0 : i32
    %dma_start3A_249 = tpu.memref_slice %arg6[%dma_start3A_234, %dma_start3A_246, %dma_start3A_247, %dma_start3A_248] : memref<2x4x200x64xf32, #tpu.memory_space<vmem>> -> memref<1x4x200x64xf32, #tpu.memory_space<vmem>>
    %dma_start3A_250 = tpu.memref_squeeze %dma_start3A_249 : memref<1x4x200x64xf32, #tpu.memory_space<vmem>> -> memref<4x200x64xf32, #tpu.memory_space<vmem>>
    tpu.enqueue_dma source(%dma_start3A_250 : memref<4x200x64xf32, #tpu.memory_space<vmem>>) target(%dma_start3A_245 : memref<4x200x64xf32, #tpu.memory_space<hbm>>) target_semaphore(%arg8 : memref<!tpu.dma_semaphore, #tpu.memory_space<semaphore_mem>>)
    %scan3A = arith.constant 1 : i32
    %scan3A_251 = arith.constant 15 : i32
    %scan3A_252 = arith.addi %scan3A, %scan3A_251 : i32
    %scan3A_253 = arith.constant 1 : i32
    scf.for %scan3A_297 = %scan3A to %scan3A_252 step %scan3A_253  : i32 {
      %mul3A_298 = arith.constant 2 : i32
      %mul3A_299 = arith.muli %mul3A_298, %scan3A_297 : i32
      %add3A_300 = arith.constant 0 : i32
      %add3A_301 = arith.addi %mul3A_299, %add3A_300 : i32
      %sub3A = arith.constant 2 : i32
      %sub3A_302 = arith.subi %add3A_301, %sub3A : i32
      %mul3A_303 = arith.constant 128 : i32
      %mul3A_304 = arith.muli %add3A, %mul3A_303 : i32
      %mul3A_305 = arith.constant 4 : i32
      %mul3A_306 = arith.muli %sub3A_302, %mul3A_305 : i32
      %add3A_307 = arith.addi %mul3A_304, %mul3A_306 : i32
      %dma_wait3A_308 = arith.constant 0 : i32
      %dma_wait3A_309 = arith.constant 0 : i32
      %dma_wait3A_310 = arith.constant 0 : i32
      %dma_wait3A_311 = arith.constant 0 : i32
      %dma_wait3A_312 = tpu.memref_slice %arg6[%dma_wait3A_308, %dma_wait3A_309, %dma_wait3A_310, %dma_wait3A_311] : memref<2x4x200x64xf32, #tpu.memory_space<vmem>> -> memref<1x4x200x64xf32, #tpu.memory_space<vmem>>
      %dma_wait3A_313 = tpu.memref_squeeze %dma_wait3A_312 : memref<1x4x200x64xf32, #tpu.memory_space<vmem>> -> memref<4x200x64xf32, #tpu.memory_space<vmem>>
      %dma_wait3A_314 = arith.constant 0 : i32
      %dma_wait3A_315 = arith.constant 0 : i32
      %dma_wait3A_316 = tpu.memref_slice %arg4[%add3A_307, %dma_wait3A_314, %dma_wait3A_315] : memref<4096x200x64xf32, #tpu.memory_space<hbm>> -> memref<4x200x64xf32, #tpu.memory_space<hbm>>
      %dma_wait3A_317 = arith.constant 0 : i32
      %dma_wait3A_318 = arith.constant 0 : i32
      %dma_wait3A_319 = tpu.memref_slice %arg4[%add3A_307, %dma_wait3A_317, %dma_wait3A_318] : memref<4096x200x64xf32, #tpu.memory_space<hbm>> -> memref<4x200x64xf32, #tpu.memory_space<hbm>>
      %dma_wait3A_320 = arith.constant 0 : i32
      %dma_wait3A_321 = arith.constant 0 : i32
      %dma_wait3A_322 = arith.constant 0 : i32
      %dma_wait3A_323 = tpu.memref_slice %arg6[%dma_wait3A_308, %dma_wait3A_320, %dma_wait3A_321, %dma_wait3A_322] : memref<2x4x200x64xf32, #tpu.memory_space<vmem>> -> memref<1x4x200x64xf32, #tpu.memory_space<vmem>>
      %dma_wait3A_324 = tpu.memref_squeeze %dma_wait3A_323 : memref<1x4x200x64xf32, #tpu.memory_space<vmem>> -> memref<4x200x64xf32, #tpu.memory_space<vmem>>
      tpu.wait_dma2 semaphore(%arg8 : memref<!tpu.dma_semaphore, #tpu.memory_space<semaphore_mem>>) src(%dma_wait3A_324 : memref<4x200x64xf32, #tpu.memory_space<vmem>>) dst(%dma_wait3A_319 : memref<4x200x64xf32, #tpu.memory_space<hbm>>)
      %mul3A_325 = arith.constant 4 : i32
      %mul3A_326 = arith.muli %add3A_301, %mul3A_325 : i32
      %add3A_327 = arith.constant 0 : i32
      %add3A_328 = arith.addi %mul3A_326, %add3A_327 : i32
      %dma_start3A_329 = arith.constant 0 : i32
      %dma_start3A_330 = arith.constant 0 : i32
      %dma_start3A_331 = arith.constant 0 : i32
      %dma_start3A_332 = arith.constant 0 : i32
      %dma_start3A_333 = tpu.memref_slice %arg6[%dma_start3A_329, %dma_start3A_330, %dma_start3A_331, %dma_start3A_332] : memref<2x4x200x64xf32, #tpu.memory_space<vmem>> -> memref<1x1x200x64xf32, #tpu.memory_space<vmem>>
      %dma_start3A_334 = tpu.memref_squeeze %dma_start3A_333 : memref<1x1x200x64xf32, #tpu.memory_space<vmem>> -> memref<200x64xf32, #tpu.memory_space<vmem>>
      %dma_start3A_335 = arith.constant 0 : i32
      %dma_start3A_336 = tpu.memref_slice %arg5[%add3A_328, %dma_start3A_335] : memref<128x200xi32, #tpu.memory_space<vmem>> -> memref<1x200xi32, #tpu.memory_space<vmem>>
      %dma_start3A_337 = tpu.memref_squeeze %dma_start3A_336 : memref<1x200xi32, #tpu.memory_space<vmem>> -> memref<200xi32, #tpu.memory_space<vmem>>
      %dma_start3A_338 = arith.constant 0 : i32
      %dma_start3A_339 = arith.constant 0 : i32
      %dma_start3A_340 = tpu.memref_slice %arg3[%dma_start3A_338, %dma_start3A_339] : memref<1000000x64xf32, #tpu.memory_space<hbm>> -> memref<1000000x64xf32, #tpu.memory_space<hbm>>
      tpu.enqueue_indirect_dma source(%dma_start3A_340 : memref<1000000x64xf32, #tpu.memory_space<hbm>>) target(%dma_start3A_334 : memref<200x64xf32, #tpu.memory_space<vmem>>) offsets(%dma_start3A_337 : memref<200xi32, #tpu.memory_space<vmem>>) semaphore(%arg7 : memref<!tpu.dma_semaphore, #tpu.memory_space<semaphore_mem>>)
      %mul3A_341 = arith.constant 4 : i32
      %mul3A_342 = arith.muli %add3A_301, %mul3A_341 : i32
      %add3A_343 = arith.constant 1 : i32
      %add3A_344 = arith.addi %mul3A_342, %add3A_343 : i32
      %dma_start3A_345 = arith.constant 0 : i32
      %dma_start3A_346 = arith.constant 1 : i32
      %dma_start3A_347 = arith.constant 0 : i32
      %dma_start3A_348 = arith.constant 0 : i32
      %dma_start3A_349 = tpu.memref_slice %arg6[%dma_start3A_345, %dma_start3A_346, %dma_start3A_347, %dma_start3A_348] : memref<2x4x200x64xf32, #tpu.memory_space<vmem>> -> memref<1x1x200x64xf32, #tpu.memory_space<vmem>>
      %dma_start3A_350 = tpu.memref_squeeze %dma_start3A_349 : memref<1x1x200x64xf32, #tpu.memory_space<vmem>> -> memref<200x64xf32, #tpu.memory_space<vmem>>
      %dma_start3A_351 = arith.constant 0 : i32
      %dma_start3A_352 = tpu.memref_slice %arg5[%add3A_344, %dma_start3A_351] : memref<128x200xi32, #tpu.memory_space<vmem>> -> memref<1x200xi32, #tpu.memory_space<vmem>>
      %dma_start3A_353 = tpu.memref_squeeze %dma_start3A_352 : memref<1x200xi32, #tpu.memory_space<vmem>> -> memref<200xi32, #tpu.memory_space<vmem>>
      %dma_start3A_354 = arith.constant 0 : i32
      %dma_start3A_355 = arith.constant 0 : i32
      %dma_start3A_356 = tpu.memref_slice %arg3[%dma_start3A_354, %dma_start3A_355] : memref<1000000x64xf32, #tpu.memory_space<hbm>> -> memref<1000000x64xf32, #tpu.memory_space<hbm>>
      tpu.enqueue_indirect_dma source(%dma_start3A_356 : memref<1000000x64xf32, #tpu.memory_space<hbm>>) target(%dma_start3A_350 : memref<200x64xf32, #tpu.memory_space<vmem>>) offsets(%dma_start3A_353 : memref<200xi32, #tpu.memory_space<vmem>>) semaphore(%arg7 : memref<!tpu.dma_semaphore, #tpu.memory_space<semaphore_mem>>)
      %mul3A_357 = arith.constant 4 : i32
      %mul3A_358 = arith.muli %add3A_301, %mul3A_357 : i32
      %add3A_359 = arith.constant 2 : i32
      %add3A_360 = arith.addi %mul3A_358, %add3A_359 : i32
      %dma_start3A_361 = arith.constant 0 : i32
      %dma_start3A_362 = arith.constant 2 : i32
      %dma_start3A_363 = arith.constant 0 : i32
      %dma_start3A_364 = arith.constant 0 : i32
      %dma_start3A_365 = tpu.memref_slice %arg6[%dma_start3A_361, %dma_start3A_362, %dma_start3A_363, %dma_start3A_364] : memref<2x4x200x64xf32, #tpu.memory_space<vmem>> -> memref<1x1x200x64xf32, #tpu.memory_space<vmem>>
      %dma_start3A_366 = tpu.memref_squeeze %dma_start3A_365 : memref<1x1x200x64xf32, #tpu.memory_space<vmem>> -> memref<200x64xf32, #tpu.memory_space<vmem>>
      %dma_start3A_367 = arith.constant 0 : i32
      %dma_start3A_368 = tpu.memref_slice %arg5[%add3A_360, %dma_start3A_367] : memref<128x200xi32, #tpu.memory_space<vmem>> -> memref<1x200xi32, #tpu.memory_space<vmem>>
      %dma_start3A_369 = tpu.memref_squeeze %dma_start3A_368 : memref<1x200xi32, #tpu.memory_space<vmem>> -> memref<200xi32, #tpu.memory_space<vmem>>
      %dma_start3A_370 = arith.constant 0 : i32
      %dma_start3A_371 = arith.constant 0 : i32
      %dma_start3A_372 = tpu.memref_slice %arg3[%dma_start3A_370, %dma_start3A_371] : memref<1000000x64xf32, #tpu.memory_space<hbm>> -> memref<1000000x64xf32, #tpu.memory_space<hbm>>
      tpu.enqueue_indirect_dma source(%dma_start3A_372 : memref<1000000x64xf32, #tpu.memory_space<hbm>>) target(%dma_start3A_366 : memref<200x64xf32, #tpu.memory_space<vmem>>) offsets(%dma_start3A_369 : memref<200xi32, #tpu.memory_space<vmem>>) semaphore(%arg7 : memref<!tpu.dma_semaphore, #tpu.memory_space<semaphore_mem>>)
      %mul3A_373 = arith.constant 4 : i32
      %mul3A_374 = arith.muli %add3A_301, %mul3A_373 : i32
      %add3A_375 = arith.constant 3 : i32
      %add3A_376 = arith.addi %mul3A_374, %add3A_375 : i32
      %dma_start3A_377 = arith.constant 0 : i32
      %dma_start3A_378 = arith.constant 3 : i32
      %dma_start3A_379 = arith.constant 0 : i32
      %dma_start3A_380 = arith.constant 0 : i32
      %dma_start3A_381 = tpu.memref_slice %arg6[%dma_start3A_377, %dma_start3A_378, %dma_start3A_379, %dma_start3A_380] : memref<2x4x200x64xf32, #tpu.memory_space<vmem>> -> memref<1x1x200x64xf32, #tpu.memory_space<vmem>>
      %dma_start3A_382 = tpu.memref_squeeze %dma_start3A_381 : memref<1x1x200x64xf32, #tpu.memory_space<vmem>> -> memref<200x64xf32, #tpu.memory_space<vmem>>
      %dma_start3A_383 = arith.constant 0 : i32
      %dma_start3A_384 = tpu.memref_slice %arg5[%add3A_376, %dma_start3A_383] : memref<128x200xi32, #tpu.memory_space<vmem>> -> memref<1x200xi32, #tpu.memory_space<vmem>>
      %dma_start3A_385 = tpu.memref_squeeze %dma_start3A_384 : memref<1x200xi32, #tpu.memory_space<vmem>> -> memref<200xi32, #tpu.memory_space<vmem>>
      %dma_start3A_386 = arith.constant 0 : i32
      %dma_start3A_387 = arith.constant 0 : i32
      %dma_start3A_388 = tpu.memref_slice %arg3[%dma_start3A_386, %dma_start3A_387] : memref<1000000x64xf32, #tpu.memory_space<hbm>> -> memref<1000000x64xf32, #tpu.memory_space<hbm>>
      tpu.enqueue_indirect_dma source(%dma_start3A_388 : memref<1000000x64xf32, #tpu.memory_space<hbm>>) target(%dma_start3A_382 : memref<200x64xf32, #tpu.memory_space<vmem>>) offsets(%dma_start3A_385 : memref<200xi32, #tpu.memory_space<vmem>>) semaphore(%arg7 : memref<!tpu.dma_semaphore, #tpu.memory_space<semaphore_mem>>)
      %mul3A_389 = arith.constant 4 : i32
      %mul3A_390 = arith.muli %add3A_301, %mul3A_389 : i32
      %add3A_391 = arith.constant 0 : i32
      %add3A_392 = arith.addi %mul3A_390, %add3A_391 : i32
      %dma_wait3A_393 = arith.constant 0 : i32
      %dma_wait3A_394 = arith.constant 0 : i32
      %dma_wait3A_395 = arith.constant 0 : i32
      %dma_wait3A_396 = arith.constant 0 : i32
      %dma_wait3A_397 = tpu.memref_slice %arg6[%dma_wait3A_393, %dma_wait3A_394, %dma_wait3A_395, %dma_wait3A_396] : memref<2x4x200x64xf32, #tpu.memory_space<vmem>> -> memref<1x1x200x64xf32, #tpu.memory_space<vmem>>
      %dma_wait3A_398 = tpu.memref_squeeze %dma_wait3A_397 : memref<1x1x200x64xf32, #tpu.memory_space<vmem>> -> memref<200x64xf32, #tpu.memory_space<vmem>>
      %dma_wait3A_399 = arith.constant 0 : i32
      %dma_wait3A_400 = tpu.memref_slice %arg5[%add3A_392, %dma_wait3A_399] : memref<128x200xi32, #tpu.memory_space<vmem>> -> memref<1x200xi32, #tpu.memory_space<vmem>>
      %dma_wait3A_401 = tpu.memref_squeeze %dma_wait3A_400 : memref<1x200xi32, #tpu.memory_space<vmem>> -> memref<200xi32, #tpu.memory_space<vmem>>
      %dma_wait3A_402 = arith.constant 0 : i32
      %dma_wait3A_403 = arith.constant 0 : i32
      %dma_wait3A_404 = tpu.memref_slice %arg3[%dma_wait3A_402, %dma_wait3A_403] : memref<1000000x64xf32, #tpu.memory_space<hbm>> -> memref<1000000x64xf32, #tpu.memory_space<hbm>>
      tpu.wait_indirect_dma semaphore(%arg7 : memref<!tpu.dma_semaphore, #tpu.memory_space<semaphore_mem>>) src(%dma_wait3A_404 : memref<1000000x64xf32, #tpu.memory_space<hbm>>) dst(%dma_wait3A_398 : memref<200x64xf32, #tpu.memory_space<vmem>>)
      %mul3A_405 = arith.constant 4 : i32
      %mul3A_406 = arith.muli %add3A_301, %mul3A_405 : i32
      %add3A_407 = arith.constant 1 : i32
      %add3A_408 = arith.addi %mul3A_406, %add3A_407 : i32
      %dma_wait3A_409 = arith.constant 0 : i32
      %dma_wait3A_410 = arith.constant 1 : i32
      %dma_wait3A_411 = arith.constant 0 : i32
      %dma_wait3A_412 = arith.constant 0 : i32
      %dma_wait3A_413 = tpu.memref_slice %arg6[%dma_wait3A_409, %dma_wait3A_410, %dma_wait3A_411, %dma_wait3A_412] : memref<2x4x200x64xf32, #tpu.memory_space<vmem>> -> memref<1x1x200x64xf32, #tpu.memory_space<vmem>>
      %dma_wait3A_414 = tpu.memref_squeeze %dma_wait3A_413 : memref<1x1x200x64xf32, #tpu.memory_space<vmem>> -> memref<200x64xf32, #tpu.memory_space<vmem>>
      %dma_wait3A_415 = arith.constant 0 : i32
      %dma_wait3A_416 = tpu.memref_slice %arg5[%add3A_408, %dma_wait3A_415] : memref<128x200xi32, #tpu.memory_space<vmem>> -> memref<1x200xi32, #tpu.memory_space<vmem>>
      %dma_wait3A_417 = tpu.memref_squeeze %dma_wait3A_416 : memref<1x200xi32, #tpu.memory_space<vmem>> -> memref<200xi32, #tpu.memory_space<vmem>>
      %dma_wait3A_418 = arith.constant 0 : i32
      %dma_wait3A_419 = arith.constant 0 : i32
      %dma_wait3A_420 = tpu.memref_slice %arg3[%dma_wait3A_418, %dma_wait3A_419] : memref<1000000x64xf32, #tpu.memory_space<hbm>> -> memref<1000000x64xf32, #tpu.memory_space<hbm>>
      tpu.wait_indirect_dma semaphore(%arg7 : memref<!tpu.dma_semaphore, #tpu.memory_space<semaphore_mem>>) src(%dma_wait3A_420 : memref<1000000x64xf32, #tpu.memory_space<hbm>>) dst(%dma_wait3A_414 : memref<200x64xf32, #tpu.memory_space<vmem>>)
      %mul3A_421 = arith.constant 4 : i32
      %mul3A_422 = arith.muli %add3A_301, %mul3A_421 : i32
      %add3A_423 = arith.constant 2 : i32
      %add3A_424 = arith.addi %mul3A_422, %add3A_423 : i32
      %dma_wait3A_425 = arith.constant 0 : i32
      %dma_wait3A_426 = arith.constant 2 : i32
      %dma_wait3A_427 = arith.constant 0 : i32
      %dma_wait3A_428 = arith.constant 0 : i32
      %dma_wait3A_429 = tpu.memref_slice %arg6[%dma_wait3A_425, %dma_wait3A_426, %dma_wait3A_427, %dma_wait3A_428] : memref<2x4x200x64xf32, #tpu.memory_space<vmem>> -> memref<1x1x200x64xf32, #tpu.memory_space<vmem>>
      %dma_wait3A_430 = tpu.memref_squeeze %dma_wait3A_429 : memref<1x1x200x64xf32, #tpu.memory_space<vmem>> -> memref<200x64xf32, #tpu.memory_space<vmem>>
      %dma_wait3A_431 = arith.constant 0 : i32
      %dma_wait3A_432 = tpu.memref_slice %arg5[%add3A_424, %dma_wait3A_431] : memref<128x200xi32, #tpu.memory_space<vmem>> -> memref<1x200xi32, #tpu.memory_space<vmem>>
      %dma_wait3A_433 = tpu.memref_squeeze %dma_wait3A_432 : memref<1x200xi32, #tpu.memory_space<vmem>> -> memref<200xi32, #tpu.memory_space<vmem>>
      %dma_wait3A_434 = arith.constant 0 : i32
      %dma_wait3A_435 = arith.constant 0 : i32
      %dma_wait3A_436 = tpu.memref_slice %arg3[%dma_wait3A_434, %dma_wait3A_435] : memref<1000000x64xf32, #tpu.memory_space<hbm>> -> memref<1000000x64xf32, #tpu.memory_space<hbm>>
      tpu.wait_indirect_dma semaphore(%arg7 : memref<!tpu.dma_semaphore, #tpu.memory_space<semaphore_mem>>) src(%dma_wait3A_436 : memref<1000000x64xf32, #tpu.memory_space<hbm>>) dst(%dma_wait3A_430 : memref<200x64xf32, #tpu.memory_space<vmem>>)
      %mul3A_437 = arith.constant 4 : i32
      %mul3A_438 = arith.muli %add3A_301, %mul3A_437 : i32
      %add3A_439 = arith.constant 3 : i32
      %add3A_440 = arith.addi %mul3A_438, %add3A_439 : i32
      %dma_wait3A_441 = arith.constant 0 : i32
      %dma_wait3A_442 = arith.constant 3 : i32
      %dma_wait3A_443 = arith.constant 0 : i32
      %dma_wait3A_444 = arith.constant 0 : i32
      %dma_wait3A_445 = tpu.memref_slice %arg6[%dma_wait3A_441, %dma_wait3A_442, %dma_wait3A_443, %dma_wait3A_444] : memref<2x4x200x64xf32, #tpu.memory_space<vmem>> -> memref<1x1x200x64xf32, #tpu.memory_space<vmem>>
      %dma_wait3A_446 = tpu.memref_squeeze %dma_wait3A_445 : memref<1x1x200x64xf32, #tpu.memory_space<vmem>> -> memref<200x64xf32, #tpu.memory_space<vmem>>
      %dma_wait3A_447 = arith.constant 0 : i32
      %dma_wait3A_448 = tpu.memref_slice %arg5[%add3A_440, %dma_wait3A_447] : memref<128x200xi32, #tpu.memory_space<vmem>> -> memref<1x200xi32, #tpu.memory_space<vmem>>
      %dma_wait3A_449 = tpu.memref_squeeze %dma_wait3A_448 : memref<1x200xi32, #tpu.memory_space<vmem>> -> memref<200xi32, #tpu.memory_space<vmem>>
      %dma_wait3A_450 = arith.constant 0 : i32
      %dma_wait3A_451 = arith.constant 0 : i32
      %dma_wait3A_452 = tpu.memref_slice %arg3[%dma_wait3A_450, %dma_wait3A_451] : memref<1000000x64xf32, #tpu.memory_space<hbm>> -> memref<1000000x64xf32, #tpu.memory_space<hbm>>
      tpu.wait_indirect_dma semaphore(%arg7 : memref<!tpu.dma_semaphore, #tpu.memory_space<semaphore_mem>>) src(%dma_wait3A_452 : memref<1000000x64xf32, #tpu.memory_space<hbm>>) dst(%dma_wait3A_446 : memref<200x64xf32, #tpu.memory_space<vmem>>)
      %mul3A_453 = arith.constant 128 : i32
      %mul3A_454 = arith.muli %add3A, %mul3A_453 : i32
      %mul3A_455 = arith.constant 4 : i32
      %mul3A_456 = arith.muli %add3A_301, %mul3A_455 : i32
      %add3A_457 = arith.addi %mul3A_454, %mul3A_456 : i32
      %dma_start3A_458 = arith.constant 0 : i32
      %dma_start3A_459 = arith.constant 0 : i32
      %dma_start3A_460 = arith.constant 0 : i32
      %dma_start3A_461 = arith.constant 0 : i32
      %dma_start3A_462 = tpu.memref_slice %arg6[%dma_start3A_458, %dma_start3A_459, %dma_start3A_460, %dma_start3A_461] : memref<2x4x200x64xf32, #tpu.memory_space<vmem>> -> memref<1x4x200x64xf32, #tpu.memory_space<vmem>>
      %dma_start3A_463 = tpu.memref_squeeze %dma_start3A_462 : memref<1x4x200x64xf32, #tpu.memory_space<vmem>> -> memref<4x200x64xf32, #tpu.memory_space<vmem>>
      %dma_start3A_464 = arith.constant 0 : i32
      %dma_start3A_465 = arith.constant 0 : i32
      %dma_start3A_466 = tpu.memref_slice %arg4[%add3A_457, %dma_start3A_464, %dma_start3A_465] : memref<4096x200x64xf32, #tpu.memory_space<hbm>> -> memref<4x200x64xf32, #tpu.memory_space<hbm>>
      %dma_start3A_467 = arith.constant 0 : i32
      %dma_start3A_468 = arith.constant 0 : i32
      %dma_start3A_469 = tpu.memref_slice %arg4[%add3A_457, %dma_start3A_467, %dma_start3A_468] : memref<4096x200x64xf32, #tpu.memory_space<hbm>> -> memref<4x200x64xf32, #tpu.memory_space<hbm>>
      %dma_start3A_470 = arith.constant 0 : i32
      %dma_start3A_471 = arith.constant 0 : i32
      %dma_start3A_472 = arith.constant 0 : i32
      %dma_start3A_473 = tpu.memref_slice %arg6[%dma_start3A_458, %dma_start3A_470, %dma_start3A_471, %dma_start3A_472] : memref<2x4x200x64xf32, #tpu.memory_space<vmem>> -> memref<1x4x200x64xf32, #tpu.memory_space<vmem>>
      %dma_start3A_474 = tpu.memref_squeeze %dma_start3A_473 : memref<1x4x200x64xf32, #tpu.memory_space<vmem>> -> memref<4x200x64xf32, #tpu.memory_space<vmem>>
      tpu.enqueue_dma source(%dma_start3A_474 : memref<4x200x64xf32, #tpu.memory_space<vmem>>) target(%dma_start3A_469 : memref<4x200x64xf32, #tpu.memory_space<hbm>>) target_semaphore(%arg8 : memref<!tpu.dma_semaphore, #tpu.memory_space<semaphore_mem>>)
      %mul3A_475 = arith.constant 2 : i32
      %mul3A_476 = arith.muli %mul3A_475, %scan3A_297 : i32
      %add3A_477 = arith.constant 1 : i32
      %add3A_478 = arith.addi %mul3A_476, %add3A_477 : i32
      %sub3A_479 = arith.constant 2 : i32
      %sub3A_480 = arith.subi %add3A_478, %sub3A_479 : i32
      %mul3A_481 = arith.constant 128 : i32
      %mul3A_482 = arith.muli %add3A, %mul3A_481 : i32
      %mul3A_483 = arith.constant 4 : i32
      %mul3A_484 = arith.muli %sub3A_480, %mul3A_483 : i32
      %add3A_485 = arith.addi %mul3A_482, %mul3A_484 : i32
      %dma_wait3A_486 = arith.constant 1 : i32
      %dma_wait3A_487 = arith.constant 0 : i32
      %dma_wait3A_488 = arith.constant 0 : i32
      %dma_wait3A_489 = arith.constant 0 : i32
      %dma_wait3A_490 = tpu.memref_slice %arg6[%dma_wait3A_486, %dma_wait3A_487, %dma_wait3A_488, %dma_wait3A_489] : memref<2x4x200x64xf32, #tpu.memory_space<vmem>> -> memref<1x4x200x64xf32, #tpu.memory_space<vmem>>
      %dma_wait3A_491 = tpu.memref_squeeze %dma_wait3A_490 : memref<1x4x200x64xf32, #tpu.memory_space<vmem>> -> memref<4x200x64xf32, #tpu.memory_space<vmem>>
      %dma_wait3A_492 = arith.constant 0 : i32
      %dma_wait3A_493 = arith.constant 0 : i32
      %dma_wait3A_494 = tpu.memref_slice %arg4[%add3A_485, %dma_wait3A_492, %dma_wait3A_493] : memref<4096x200x64xf32, #tpu.memory_space<hbm>> -> memref<4x200x64xf32, #tpu.memory_space<hbm>>
      %dma_wait3A_495 = arith.constant 0 : i32
      %dma_wait3A_496 = arith.constant 0 : i32
      %dma_wait3A_497 = tpu.memref_slice %arg4[%add3A_485, %dma_wait3A_495, %dma_wait3A_496] : memref<4096x200x64xf32, #tpu.memory_space<hbm>> -> memref<4x200x64xf32, #tpu.memory_space<hbm>>
      %dma_wait3A_498 = arith.constant 0 : i32
      %dma_wait3A_499 = arith.constant 0 : i32
      %dma_wait3A_500 = arith.constant 0 : i32
      %dma_wait3A_501 = tpu.memref_slice %arg6[%dma_wait3A_486, %dma_wait3A_498, %dma_wait3A_499, %dma_wait3A_500] : memref<2x4x200x64xf32, #tpu.memory_space<vmem>> -> memref<1x4x200x64xf32, #tpu.memory_space<vmem>>
      %dma_wait3A_502 = tpu.memref_squeeze %dma_wait3A_501 : memref<1x4x200x64xf32, #tpu.memory_space<vmem>> -> memref<4x200x64xf32, #tpu.memory_space<vmem>>
      tpu.wait_dma2 semaphore(%arg8 : memref<!tpu.dma_semaphore, #tpu.memory_space<semaphore_mem>>) src(%dma_wait3A_502 : memref<4x200x64xf32, #tpu.memory_space<vmem>>) dst(%dma_wait3A_497 : memref<4x200x64xf32, #tpu.memory_space<hbm>>)
      %mul3A_503 = arith.constant 4 : i32
      %mul3A_504 = arith.muli %add3A_478, %mul3A_503 : i32
      %add3A_505 = arith.constant 0 : i32
      %add3A_506 = arith.addi %mul3A_504, %add3A_505 : i32
      %dma_start3A_507 = arith.constant 1 : i32
      %dma_start3A_508 = arith.constant 0 : i32
      %dma_start3A_509 = arith.constant 0 : i32
      %dma_start3A_510 = arith.constant 0 : i32
      %dma_start3A_511 = tpu.memref_slice %arg6[%dma_start3A_507, %dma_start3A_508, %dma_start3A_509, %dma_start3A_510] : memref<2x4x200x64xf32, #tpu.memory_space<vmem>> -> memref<1x1x200x64xf32, #tpu.memory_space<vmem>>
      %dma_start3A_512 = tpu.memref_squeeze %dma_start3A_511 : memref<1x1x200x64xf32, #tpu.memory_space<vmem>> -> memref<200x64xf32, #tpu.memory_space<vmem>>
      %dma_start3A_513 = arith.constant 0 : i32
      %dma_start3A_514 = tpu.memref_slice %arg5[%add3A_506, %dma_start3A_513] : memref<128x200xi32, #tpu.memory_space<vmem>> -> memref<1x200xi32, #tpu.memory_space<vmem>>
      %dma_start3A_515 = tpu.memref_squeeze %dma_start3A_514 : memref<1x200xi32, #tpu.memory_space<vmem>> -> memref<200xi32, #tpu.memory_space<vmem>>
      %dma_start3A_516 = arith.constant 0 : i32
      %dma_start3A_517 = arith.constant 0 : i32
      %dma_start3A_518 = tpu.memref_slice %arg3[%dma_start3A_516, %dma_start3A_517] : memref<1000000x64xf32, #tpu.memory_space<hbm>> -> memref<1000000x64xf32, #tpu.memory_space<hbm>>
      tpu.enqueue_indirect_dma source(%dma_start3A_518 : memref<1000000x64xf32, #tpu.memory_space<hbm>>) target(%dma_start3A_512 : memref<200x64xf32, #tpu.memory_space<vmem>>) offsets(%dma_start3A_515 : memref<200xi32, #tpu.memory_space<vmem>>) semaphore(%arg7 : memref<!tpu.dma_semaphore, #tpu.memory_space<semaphore_mem>>)
      %mul3A_519 = arith.constant 4 : i32
      %mul3A_520 = arith.muli %add3A_478, %mul3A_519 : i32
      %add3A_521 = arith.constant 1 : i32
      %add3A_522 = arith.addi %mul3A_520, %add3A_521 : i32
      %dma_start3A_523 = arith.constant 1 : i32
      %dma_start3A_524 = arith.constant 1 : i32
      %dma_start3A_525 = arith.constant 0 : i32
      %dma_start3A_526 = arith.constant 0 : i32
      %dma_start3A_527 = tpu.memref_slice %arg6[%dma_start3A_523, %dma_start3A_524, %dma_start3A_525, %dma_start3A_526] : memref<2x4x200x64xf32, #tpu.memory_space<vmem>> -> memref<1x1x200x64xf32, #tpu.memory_space<vmem>>
      %dma_start3A_528 = tpu.memref_squeeze %dma_start3A_527 : memref<1x1x200x64xf32, #tpu.memory_space<vmem>> -> memref<200x64xf32, #tpu.memory_space<vmem>>
      %dma_start3A_529 = arith.constant 0 : i32
      %dma_start3A_530 = tpu.memref_slice %arg5[%add3A_522, %dma_start3A_529] : memref<128x200xi32, #tpu.memory_space<vmem>> -> memref<1x200xi32, #tpu.memory_space<vmem>>
      %dma_start3A_531 = tpu.memref_squeeze %dma_start3A_530 : memref<1x200xi32, #tpu.memory_space<vmem>> -> memref<200xi32, #tpu.memory_space<vmem>>
      %dma_start3A_532 = arith.constant 0 : i32
      %dma_start3A_533 = arith.constant 0 : i32
      %dma_start3A_534 = tpu.memref_slice %arg3[%dma_start3A_532, %dma_start3A_533] : memref<1000000x64xf32, #tpu.memory_space<hbm>> -> memref<1000000x64xf32, #tpu.memory_space<hbm>>
      tpu.enqueue_indirect_dma source(%dma_start3A_534 : memref<1000000x64xf32, #tpu.memory_space<hbm>>) target(%dma_start3A_528 : memref<200x64xf32, #tpu.memory_space<vmem>>) offsets(%dma_start3A_531 : memref<200xi32, #tpu.memory_space<vmem>>) semaphore(%arg7 : memref<!tpu.dma_semaphore, #tpu.memory_space<semaphore_mem>>)
      %mul3A_535 = arith.constant 4 : i32
      %mul3A_536 = arith.muli %add3A_478, %mul3A_535 : i32
      %add3A_537 = arith.constant 2 : i32
      %add3A_538 = arith.addi %mul3A_536, %add3A_537 : i32
      %dma_start3A_539 = arith.constant 1 : i32
      %dma_start3A_540 = arith.constant 2 : i32
      %dma_start3A_541 = arith.constant 0 : i32
      %dma_start3A_542 = arith.constant 0 : i32
      %dma_start3A_543 = tpu.memref_slice %arg6[%dma_start3A_539, %dma_start3A_540, %dma_start3A_541, %dma_start3A_542] : memref<2x4x200x64xf32, #tpu.memory_space<vmem>> -> memref<1x1x200x64xf32, #tpu.memory_space<vmem>>
      %dma_start3A_544 = tpu.memref_squeeze %dma_start3A_543 : memref<1x1x200x64xf32, #tpu.memory_space<vmem>> -> memref<200x64xf32, #tpu.memory_space<vmem>>
      %dma_start3A_545 = arith.constant 0 : i32
      %dma_start3A_546 = tpu.memref_slice %arg5[%add3A_538, %dma_start3A_545] : memref<128x200xi32, #tpu.memory_space<vmem>> -> memref<1x200xi32, #tpu.memory_space<vmem>>
      %dma_start3A_547 = tpu.memref_squeeze %dma_start3A_546 : memref<1x200xi32, #tpu.memory_space<vmem>> -> memref<200xi32, #tpu.memory_space<vmem>>
      %dma_start3A_548 = arith.constant 0 : i32
      %dma_start3A_549 = arith.constant 0 : i32
      %dma_start3A_550 = tpu.memref_slice %arg3[%dma_start3A_548, %dma_start3A_549] : memref<1000000x64xf32, #tpu.memory_space<hbm>> -> memref<1000000x64xf32, #tpu.memory_space<hbm>>
      tpu.enqueue_indirect_dma source(%dma_start3A_550 : memref<1000000x64xf32, #tpu.memory_space<hbm>>) target(%dma_start3A_544 : memref<200x64xf32, #tpu.memory_space<vmem>>) offsets(%dma_start3A_547 : memref<200xi32, #tpu.memory_space<vmem>>) semaphore(%arg7 : memref<!tpu.dma_semaphore, #tpu.memory_space<semaphore_mem>>)
      %mul3A_551 = arith.constant 4 : i32
      %mul3A_552 = arith.muli %add3A_478, %mul3A_551 : i32
      %add3A_553 = arith.constant 3 : i32
      %add3A_554 = arith.addi %mul3A_552, %add3A_553 : i32
      %dma_start3A_555 = arith.constant 1 : i32
      %dma_start3A_556 = arith.constant 3 : i32
      %dma_start3A_557 = arith.constant 0 : i32
      %dma_start3A_558 = arith.constant 0 : i32
      %dma_start3A_559 = tpu.memref_slice %arg6[%dma_start3A_555, %dma_start3A_556, %dma_start3A_557, %dma_start3A_558] : memref<2x4x200x64xf32, #tpu.memory_space<vmem>> -> memref<1x1x200x64xf32, #tpu.memory_space<vmem>>
      %dma_start3A_560 = tpu.memref_squeeze %dma_start3A_559 : memref<1x1x200x64xf32, #tpu.memory_space<vmem>> -> memref<200x64xf32, #tpu.memory_space<vmem>>
      %dma_start3A_561 = arith.constant 0 : i32
      %dma_start3A_562 = tpu.memref_slice %arg5[%add3A_554, %dma_start3A_561] : memref<128x200xi32, #tpu.memory_space<vmem>> -> memref<1x200xi32, #tpu.memory_space<vmem>>
      %dma_start3A_563 = tpu.memref_squeeze %dma_start3A_562 : memref<1x200xi32, #tpu.memory_space<vmem>> -> memref<200xi32, #tpu.memory_space<vmem>>
      %dma_start3A_564 = arith.constant 0 : i32
      %dma_start3A_565 = arith.constant 0 : i32
      %dma_start3A_566 = tpu.memref_slice %arg3[%dma_start3A_564, %dma_start3A_565] : memref<1000000x64xf32, #tpu.memory_space<hbm>> -> memref<1000000x64xf32, #tpu.memory_space<hbm>>
      tpu.enqueue_indirect_dma source(%dma_start3A_566 : memref<1000000x64xf32, #tpu.memory_space<hbm>>) target(%dma_start3A_560 : memref<200x64xf32, #tpu.memory_space<vmem>>) offsets(%dma_start3A_563 : memref<200xi32, #tpu.memory_space<vmem>>) semaphore(%arg7 : memref<!tpu.dma_semaphore, #tpu.memory_space<semaphore_mem>>)
      %mul3A_567 = arith.constant 4 : i32
      %mul3A_568 = arith.muli %add3A_478, %mul3A_567 : i32
      %add3A_569 = arith.constant 0 : i32
      %add3A_570 = arith.addi %mul3A_568, %add3A_569 : i32
      %dma_wait3A_571 = arith.constant 1 : i32
      %dma_wait3A_572 = arith.constant 0 : i32
      %dma_wait3A_573 = arith.constant 0 : i32
      %dma_wait3A_574 = arith.constant 0 : i32
      %dma_wait3A_575 = tpu.memref_slice %arg6[%dma_wait3A_571, %dma_wait3A_572, %dma_wait3A_573, %dma_wait3A_574] : memref<2x4x200x64xf32, #tpu.memory_space<vmem>> -> memref<1x1x200x64xf32, #tpu.memory_space<vmem>>
      %dma_wait3A_576 = tpu.memref_squeeze %dma_wait3A_575 : memref<1x1x200x64xf32, #tpu.memory_space<vmem>> -> memref<200x64xf32, #tpu.memory_space<vmem>>
      %dma_wait3A_577 = arith.constant 0 : i32
      %dma_wait3A_578 = tpu.memref_slice %arg5[%add3A_570, %dma_wait3A_577] : memref<128x200xi32, #tpu.memory_space<vmem>> -> memref<1x200xi32, #tpu.memory_space<vmem>>
      %dma_wait3A_579 = tpu.memref_squeeze %dma_wait3A_578 : memref<1x200xi32, #tpu.memory_space<vmem>> -> memref<200xi32, #tpu.memory_space<vmem>>
      %dma_wait3A_580 = arith.constant 0 : i32
      %dma_wait3A_581 = arith.constant 0 : i32
      %dma_wait3A_582 = tpu.memref_slice %arg3[%dma_wait3A_580, %dma_wait3A_581] : memref<1000000x64xf32, #tpu.memory_space<hbm>> -> memref<1000000x64xf32, #tpu.memory_space<hbm>>
      tpu.wait_indirect_dma semaphore(%arg7 : memref<!tpu.dma_semaphore, #tpu.memory_space<semaphore_mem>>) src(%dma_wait3A_582 : memref<1000000x64xf32, #tpu.memory_space<hbm>>) dst(%dma_wait3A_576 : memref<200x64xf32, #tpu.memory_space<vmem>>)
      %mul3A_583 = arith.constant 4 : i32
      %mul3A_584 = arith.muli %add3A_478, %mul3A_583 : i32
      %add3A_585 = arith.constant 1 : i32
      %add3A_586 = arith.addi %mul3A_584, %add3A_585 : i32
      %dma_wait3A_587 = arith.constant 1 : i32
      %dma_wait3A_588 = arith.constant 1 : i32
      %dma_wait3A_589 = arith.constant 0 : i32
      %dma_wait3A_590 = arith.constant 0 : i32
      %dma_wait3A_591 = tpu.memref_slice %arg6[%dma_wait3A_587, %dma_wait3A_588, %dma_wait3A_589, %dma_wait3A_590] : memref<2x4x200x64xf32, #tpu.memory_space<vmem>> -> memref<1x1x200x64xf32, #tpu.memory_space<vmem>>
      %dma_wait3A_592 = tpu.memref_squeeze %dma_wait3A_591 : memref<1x1x200x64xf32, #tpu.memory_space<vmem>> -> memref<200x64xf32, #tpu.memory_space<vmem>>
      %dma_wait3A_593 = arith.constant 0 : i32
      %dma_wait3A_594 = tpu.memref_slice %arg5[%add3A_586, %dma_wait3A_593] : memref<128x200xi32, #tpu.memory_space<vmem>> -> memref<1x200xi32, #tpu.memory_space<vmem>>
      %dma_wait3A_595 = tpu.memref_squeeze %dma_wait3A_594 : memref<1x200xi32, #tpu.memory_space<vmem>> -> memref<200xi32, #tpu.memory_space<vmem>>
      %dma_wait3A_596 = arith.constant 0 : i32
      %dma_wait3A_597 = arith.constant 0 : i32
      %dma_wait3A_598 = tpu.memref_slice %arg3[%dma_wait3A_596, %dma_wait3A_597] : memref<1000000x64xf32, #tpu.memory_space<hbm>> -> memref<1000000x64xf32, #tpu.memory_space<hbm>>
      tpu.wait_indirect_dma semaphore(%arg7 : memref<!tpu.dma_semaphore, #tpu.memory_space<semaphore_mem>>) src(%dma_wait3A_598 : memref<1000000x64xf32, #tpu.memory_space<hbm>>) dst(%dma_wait3A_592 : memref<200x64xf32, #tpu.memory_space<vmem>>)
      %mul3A_599 = arith.constant 4 : i32
      %mul3A_600 = arith.muli %add3A_478, %mul3A_599 : i32
      %add3A_601 = arith.constant 2 : i32
      %add3A_602 = arith.addi %mul3A_600, %add3A_601 : i32
      %dma_wait3A_603 = arith.constant 1 : i32
      %dma_wait3A_604 = arith.constant 2 : i32
      %dma_wait3A_605 = arith.constant 0 : i32
      %dma_wait3A_606 = arith.constant 0 : i32
      %dma_wait3A_607 = tpu.memref_slice %arg6[%dma_wait3A_603, %dma_wait3A_604, %dma_wait3A_605, %dma_wait3A_606] : memref<2x4x200x64xf32, #tpu.memory_space<vmem>> -> memref<1x1x200x64xf32, #tpu.memory_space<vmem>>
      %dma_wait3A_608 = tpu.memref_squeeze %dma_wait3A_607 : memref<1x1x200x64xf32, #tpu.memory_space<vmem>> -> memref<200x64xf32, #tpu.memory_space<vmem>>
      %dma_wait3A_609 = arith.constant 0 : i32
      %dma_wait3A_610 = tpu.memref_slice %arg5[%add3A_602, %dma_wait3A_609] : memref<128x200xi32, #tpu.memory_space<vmem>> -> memref<1x200xi32, #tpu.memory_space<vmem>>
      %dma_wait3A_611 = tpu.memref_squeeze %dma_wait3A_610 : memref<1x200xi32, #tpu.memory_space<vmem>> -> memref<200xi32, #tpu.memory_space<vmem>>
      %dma_wait3A_612 = arith.constant 0 : i32
      %dma_wait3A_613 = arith.constant 0 : i32
      %dma_wait3A_614 = tpu.memref_slice %arg3[%dma_wait3A_612, %dma_wait3A_613] : memref<1000000x64xf32, #tpu.memory_space<hbm>> -> memref<1000000x64xf32, #tpu.memory_space<hbm>>
      tpu.wait_indirect_dma semaphore(%arg7 : memref<!tpu.dma_semaphore, #tpu.memory_space<semaphore_mem>>) src(%dma_wait3A_614 : memref<1000000x64xf32, #tpu.memory_space<hbm>>) dst(%dma_wait3A_608 : memref<200x64xf32, #tpu.memory_space<vmem>>)
      %mul3A_615 = arith.constant 4 : i32
      %mul3A_616 = arith.muli %add3A_478, %mul3A_615 : i32
      %add3A_617 = arith.constant 3 : i32
      %add3A_618 = arith.addi %mul3A_616, %add3A_617 : i32
      %dma_wait3A_619 = arith.constant 1 : i32
      %dma_wait3A_620 = arith.constant 3 : i32
      %dma_wait3A_621 = arith.constant 0 : i32
      %dma_wait3A_622 = arith.constant 0 : i32
      %dma_wait3A_623 = tpu.memref_slice %arg6[%dma_wait3A_619, %dma_wait3A_620, %dma_wait3A_621, %dma_wait3A_622] : memref<2x4x200x64xf32, #tpu.memory_space<vmem>> -> memref<1x1x200x64xf32, #tpu.memory_space<vmem>>
      %dma_wait3A_624 = tpu.memref_squeeze %dma_wait3A_623 : memref<1x1x200x64xf32, #tpu.memory_space<vmem>> -> memref<200x64xf32, #tpu.memory_space<vmem>>
      %dma_wait3A_625 = arith.constant 0 : i32
      %dma_wait3A_626 = tpu.memref_slice %arg5[%add3A_618, %dma_wait3A_625] : memref<128x200xi32, #tpu.memory_space<vmem>> -> memref<1x200xi32, #tpu.memory_space<vmem>>
      %dma_wait3A_627 = tpu.memref_squeeze %dma_wait3A_626 : memref<1x200xi32, #tpu.memory_space<vmem>> -> memref<200xi32, #tpu.memory_space<vmem>>
      %dma_wait3A_628 = arith.constant 0 : i32
      %dma_wait3A_629 = arith.constant 0 : i32
      %dma_wait3A_630 = tpu.memref_slice %arg3[%dma_wait3A_628, %dma_wait3A_629] : memref<1000000x64xf32, #tpu.memory_space<hbm>> -> memref<1000000x64xf32, #tpu.memory_space<hbm>>
      tpu.wait_indirect_dma semaphore(%arg7 : memref<!tpu.dma_semaphore, #tpu.memory_space<semaphore_mem>>) src(%dma_wait3A_630 : memref<1000000x64xf32, #tpu.memory_space<hbm>>) dst(%dma_wait3A_624 : memref<200x64xf32, #tpu.memory_space<vmem>>)
      %mul3A_631 = arith.constant 128 : i32
      %mul3A_632 = arith.muli %add3A, %mul3A_631 : i32
      %mul3A_633 = arith.constant 4 : i32
      %mul3A_634 = arith.muli %add3A_478, %mul3A_633 : i32
      %add3A_635 = arith.addi %mul3A_632, %mul3A_634 : i32
      %dma_start3A_636 = arith.constant 1 : i32
      %dma_start3A_637 = arith.constant 0 : i32
      %dma_start3A_638 = arith.constant 0 : i32
      %dma_start3A_639 = arith.constant 0 : i32
      %dma_start3A_640 = tpu.memref_slice %arg6[%dma_start3A_636, %dma_start3A_637, %dma_start3A_638, %dma_start3A_639] : memref<2x4x200x64xf32, #tpu.memory_space<vmem>> -> memref<1x4x200x64xf32, #tpu.memory_space<vmem>>
      %dma_start3A_641 = tpu.memref_squeeze %dma_start3A_640 : memref<1x4x200x64xf32, #tpu.memory_space<vmem>> -> memref<4x200x64xf32, #tpu.memory_space<vmem>>
      %dma_start3A_642 = arith.constant 0 : i32
      %dma_start3A_643 = arith.constant 0 : i32
      %dma_start3A_644 = tpu.memref_slice %arg4[%add3A_635, %dma_start3A_642, %dma_start3A_643] : memref<4096x200x64xf32, #tpu.memory_space<hbm>> -> memref<4x200x64xf32, #tpu.memory_space<hbm>>
      %dma_start3A_645 = arith.constant 0 : i32
      %dma_start3A_646 = arith.constant 0 : i32
      %dma_start3A_647 = tpu.memref_slice %arg4[%add3A_635, %dma_start3A_645, %dma_start3A_646] : memref<4096x200x64xf32, #tpu.memory_space<hbm>> -> memref<4x200x64xf32, #tpu.memory_space<hbm>>
      %dma_start3A_648 = arith.constant 0 : i32
      %dma_start3A_649 = arith.constant 0 : i32
      %dma_start3A_650 = arith.constant 0 : i32
      %dma_start3A_651 = tpu.memref_slice %arg6[%dma_start3A_636, %dma_start3A_648, %dma_start3A_649, %dma_start3A_650] : memref<2x4x200x64xf32, #tpu.memory_space<vmem>> -> memref<1x4x200x64xf32, #tpu.memory_space<vmem>>
      %dma_start3A_652 = tpu.memref_squeeze %dma_start3A_651 : memref<1x4x200x64xf32, #tpu.memory_space<vmem>> -> memref<4x200x64xf32, #tpu.memory_space<vmem>>
      tpu.enqueue_dma source(%dma_start3A_652 : memref<4x200x64xf32, #tpu.memory_space<vmem>>) target(%dma_start3A_647 : memref<4x200x64xf32, #tpu.memory_space<hbm>>) target_semaphore(%arg8 : memref<!tpu.dma_semaphore, #tpu.memory_space<semaphore_mem>>)
    }
    %scan3A_254 = arith.constant 15 : i32
    %mul3A_255 = arith.constant 128 : i32
    %mul3A_256 = arith.muli %add3A, %mul3A_255 : i32
    %add3A_257 = arith.constant 120 : i32
    %add3A_258 = arith.addi %mul3A_256, %add3A_257 : i32
    %dma_wait3A_259 = arith.constant 0 : i32
    %dma_wait3A_260 = arith.constant 0 : i32
    %dma_wait3A_261 = arith.constant 0 : i32
    %dma_wait3A_262 = arith.constant 0 : i32
    %dma_wait3A_263 = tpu.memref_slice %arg6[%dma_wait3A_259, %dma_wait3A_260, %dma_wait3A_261, %dma_wait3A_262] : memref<2x4x200x64xf32, #tpu.memory_space<vmem>> -> memref<1x4x200x64xf32, #tpu.memory_space<vmem>>
    %dma_wait3A_264 = tpu.memref_squeeze %dma_wait3A_263 : memref<1x4x200x64xf32, #tpu.memory_space<vmem>> -> memref<4x200x64xf32, #tpu.memory_space<vmem>>
    %dma_wait3A_265 = arith.constant 0 : i32
    %dma_wait3A_266 = arith.constant 0 : i32
    %dma_wait3A_267 = tpu.memref_slice %arg4[%add3A_258, %dma_wait3A_265, %dma_wait3A_266] : memref<4096x200x64xf32, #tpu.memory_space<hbm>> -> memref<4x200x64xf32, #tpu.memory_space<hbm>>
    %dma_wait3A_268 = arith.constant 0 : i32
    %dma_wait3A_269 = arith.constant 0 : i32
    %dma_wait3A_270 = tpu.memref_slice %arg4[%add3A_258, %dma_wait3A_268, %dma_wait3A_269] : memref<4096x200x64xf32, #tpu.memory_space<hbm>> -> memref<4x200x64xf32, #tpu.memory_space<hbm>>
    %dma_wait3A_271 = arith.constant 0 : i32
    %dma_wait3A_272 = arith.constant 0 : i32
    %dma_wait3A_273 = arith.constant 0 : i32
    %dma_wait3A_274 = tpu.memref_slice %arg6[%dma_wait3A_259, %dma_wait3A_271, %dma_wait3A_272, %dma_wait3A_273] : memref<2x4x200x64xf32, #tpu.memory_space<vmem>> -> memref<1x4x200x64xf32, #tpu.memory_space<vmem>>
    %dma_wait3A_275 = tpu.memref_squeeze %dma_wait3A_274 : memref<1x4x200x64xf32, #tpu.memory_space<vmem>> -> memref<4x200x64xf32, #tpu.memory_space<vmem>>
    tpu.wait_dma2 semaphore(%arg8 : memref<!tpu.dma_semaphore, #tpu.memory_space<semaphore_mem>>) src(%dma_wait3A_275 : memref<4x200x64xf32, #tpu.memory_space<vmem>>) dst(%dma_wait3A_270 : memref<4x200x64xf32, #tpu.memory_space<hbm>>)
    %mul3A_276 = arith.constant 128 : i32
    %mul3A_277 = arith.muli %add3A, %mul3A_276 : i32
    %add3A_278 = arith.constant 124 : i32
    %add3A_279 = arith.addi %mul3A_277, %add3A_278 : i32
    %dma_wait3A_280 = arith.constant 1 : i32
    %dma_wait3A_281 = arith.constant 0 : i32
    %dma_wait3A_282 = arith.constant 0 : i32
    %dma_wait3A_283 = arith.constant 0 : i32
    %dma_wait3A_284 = tpu.memref_slice %arg6[%dma_wait3A_280, %dma_wait3A_281, %dma_wait3A_282, %dma_wait3A_283] : memref<2x4x200x64xf32, #tpu.memory_space<vmem>> -> memref<1x4x200x64xf32, #tpu.memory_space<vmem>>
    %dma_wait3A_285 = tpu.memref_squeeze %dma_wait3A_284 : memref<1x4x200x64xf32, #tpu.memory_space<vmem>> -> memref<4x200x64xf32, #tpu.memory_space<vmem>>
    %dma_wait3A_286 = arith.constant 0 : i32
    %dma_wait3A_287 = arith.constant 0 : i32
    %dma_wait3A_288 = tpu.memref_slice %arg4[%add3A_279, %dma_wait3A_286, %dma_wait3A_287] : memref<4096x200x64xf32, #tpu.memory_space<hbm>> -> memref<4x200x64xf32, #tpu.memory_space<hbm>>
    %dma_wait3A_289 = arith.constant 0 : i32
    %dma_wait3A_290 = arith.constant 0 : i32
    %dma_wait3A_291 = tpu.memref_slice %arg4[%add3A_279, %dma_wait3A_289, %dma_wait3A_290] : memref<4096x200x64xf32, #tpu.memory_space<hbm>> -> memref<4x200x64xf32, #tpu.memory_space<hbm>>
    %dma_wait3A_292 = arith.constant 0 : i32
    %dma_wait3A_293 = arith.constant 0 : i32
    %dma_wait3A_294 = arith.constant 0 : i32
    %dma_wait3A_295 = tpu.memref_slice %arg6[%dma_wait3A_280, %dma_wait3A_292, %dma_wait3A_293, %dma_wait3A_294] : memref<2x4x200x64xf32, #tpu.memory_space<vmem>> -> memref<1x4x200x64xf32, #tpu.memory_space<vmem>>
    %dma_wait3A_296 = tpu.memref_squeeze %dma_wait3A_295 : memref<1x4x200x64xf32, #tpu.memory_space<vmem>> -> memref<4x200x64xf32, #tpu.memory_space<vmem>>
    tpu.wait_dma2 semaphore(%arg8 : memref<!tpu.dma_semaphore, #tpu.memory_space<semaphore_mem>>) src(%dma_wait3A_296 : memref<4x200x64xf32, #tpu.memory_space<vmem>>) dst(%dma_wait3A_291 : memref<4x200x64xf32, #tpu.memory_space<hbm>>)
    return
  }
}

</mosaic_0001>

<sc_bundles>
// kernel: kernel.3.cloned.1.call-start
scs
__scs_entry_jumppad:
0x0: {  	(pc) =	sbr.rel $0x88, $3  }
0x1: {  	(tag) =	ssettag $0x0;
	lr =	simm.s32 $0x1  }
0x2: {  	[smem:$0x3F9F] =	sst lr;
	_ =	strace $0xD0000000  }
0x3: {  	_ = 	snop  }
0x4: {  	_ = 	snop  }
0x5: {  	_ = 	snop  }
0x6: {  	_ = 	snop  }
0x7: {  	_ = 	snop  }
__scs_overlays_trampoline_lowered:
0x8: {  	[smem:$0x3FAE] =	sst s0  }
0x9: {  	[smem:$0x3FAF] =	sst s1  }
0xa: {  	[smem:$0x3FB0] =	sst s2  }
0xb: {  	[smem:$0x3FB1] =	sst s3  }
0xc: {  	[smem:$0x3FB2] =	sst s4  }
0xd: {  	[smem:$0x3FB3] =	sst s5  }
0xe: {  	[smem:$0x3FB4] =	sst s6  }
0xf: {  	[smem:$0x3FB5] =	sst s7  }
0x10: {  	[smem:$0x3FB6] =	sst s8  }
0x11: {  	[smem:$0x3FB7] =	sst s9;
	s0 =	simm.s32 @!p0 $0x0  }
0x12: {  	s1 =	sld [smem:$0x3F9D];
	s0 =	simm.s32 @p0 $0x1  }
0x13: {  	[smem:$0x3FB8] =	sst s0;
	s0 =	simm.s32 @!p1 $0x0  }
0x14: {  	s2 =	sld [smem:$0x3F9C];
	s0 =	simm.s32 @p1 $0x1  }
0x15: {  	[smem:$0x3FB9] =	sst s0;
	s0 =	simm.s32 @!p2 $0x0  }
0x16: {  	s3 =	sld [smem:$0x3FDB];
	s0 =	simm.s32 @p2 $0x1  }
0x17: {  	s4 =	simm.s32 $0x1BF5;
	[smem:$0x3FBB] =	sst s0  }
0x18: {  	s0 =	sld [smem:$0x3F9E];
	_ =	swait.ge [sflag:s4], $0x0  }
0x19: {  	s7 =	sld [smem:$0x3F9F]  }
0x1a: {  	s8 =	sadd.s32 $0xFFFFE003, lr  }
0x1b: {  	s9 =	sadd.s32 $0xFFFFFEF7, lr;
	s5 =	simm.s32 $0xFFFFFFFF;
	p2 =	slt.u32 s8, $0xFFFFF086  }
0x1c: {  	p1 =	slt.u32 s9, $0xF7A;
	s5 =	simm.s32 @!p2 $0x0  }
0x1d: {  	s5 =	simm.s32 @p1 $0x1;
	p0 =	seq.s32 s7, s2  }
0x1e: {  	s7 =	smul.u32 @!p0 $0xF7A, s2;
	p2 =	seq.s32 @!p0 s5, $0x0  }
0x1f: {  	s9 =	smul.u32 $0xF7A, s1;
	s8 =	simm.s32 @!p0 $0x1BF5;
	p2 =	por !p2, p0  }
0x20: {  	[sflag:s8] =	ssyncset.s32 @!p0 $0xFFFFF086;
	s6 =	sadd.s32 @!p0 s3, s7;
	s7 =	simm.s32 @!p0 $0x108  }
0x21: {  	s3 =	sadd.s32 s3, s9;
	s6 =	sadd.s32 @!p0 $0x88, s6;
	s7 =	simm.s32 @p2 $0x1082  }
0x22: {  	[simem:s7], [sflag:s8] =	dma.local @!p0 [hbm:s6], $0xF7A  }
0x23: {  	s9 =	sor.u32 $0xD0000000, s2;
	s6 =	simm.s32 $0x108;
	_ =	swait.ge @!p0 [sflag:s8], $0x0  }
0x24: {  	s3 =	sadd.s32 $0x88, s3;
	s6 =	simm.s32 @!p1 $0x1082;
	[sflag:s4] =	ssyncset.s32 $0xFFFFF086  }
0x25: {  	[simem:s6], [sflag:s4] =	dma.local [hbm:s3], $0xF7A  }
0x26: {  	[smem:$0x3F9F] =	sst s1;
	(tag) =	ssettag s2;
	_ =	strace s9  }
0x27: {  	s1 =	sld [smem:$0x3FAF]  }
0x28: {  	s2 =	sld [smem:$0x3FB0]  }
0x29: {  	s4 =	sld [smem:$0x3FB2]  }
0x2a: {  	p0 =	seq.s32 s5, $0x0;
	s5 =	sld [smem:$0x3FB3]  }
0x2b: {  	s6 =	sld [smem:$0x3FB4]  }
0x2c: {  	s7 =	sld [smem:$0x3FB5]  }
0x2d: {  	s3 =	simm.s32 $0x108;
	s8 =	sld [smem:$0x3FB6]  }
0x2e: {  	s3 =	simm.s32 @!p0 $0x1082;
	s9 =	sld [smem:$0x3FB7]  }
0x2f: {  	lr =	sadd.s32 s0, s3;
	s0 =	sld [smem:$0x3FAE]  }
0x30: {  	s3 =	sld [smem:$0x3FB1]  }
0x31: {  	[smem:$0x3FBA] =	sst s10  }
0x32: {  	s10 =	sld [smem:$0x3FB8];
	_ =	sdelay $0x3  }
0x33: {  	p0 =	seq.s32 s10, $0x1;
	s10 =	sld [smem:$0x3FBA];
	_ =	sdelay $0x3  }
0x34: {  	[smem:$0x3FBA] =	sst s10  }
0x35: {  	s10 =	sld [smem:$0x3FB9];
	_ =	sdelay $0x3  }
0x36: {  	p1 =	seq.s32 s10, $0x1;
	s10 =	sld [smem:$0x3FBA];
	_ =	sdelay $0x3  }
0x37: {  	[smem:$0x3FBA] =	sst s10  }
0x38: {  	s10 =	sld [smem:$0x3FBB]  }
0x39: {  	_ = 	snop;
	(pc) =	sbr.ind lr, $3  }
0x3a: {  	_ = 	snop  }
0x3b: {  	_ = 	snop  }
0x3c: {  	p2 =	seq.s32 s10, $0x1;
	s10 =	sld [smem:$0x3FBA]  }
0x3d: {  	_ =	shalt  }
0x3e: {  	_ =	shalt  }
0x3f: {  	_ =	shalt  }
0x40: {  	_ =	shalt  }
0x41: {  	_ =	shalt  }
0x42: {  	_ =	shalt  }
0x43: {  	_ =	shalt  }
0x44: {  	_ =	shalt  }
0x45: {  	_ =	shalt  }
0x46: {  	_ =	shalt  }
0x47: {  	_ =	shalt  }
0x48: {  	_ =	shalt  }
0x49: {  	_ =	shalt  }
0x4a: {  	_ =	shalt  }
0x4b: {  	_ =	shalt  }
0x4c: {  	_ =	shalt  }
0x4d: {  	_ =	shalt  }
0x4e: {  	_ =	shalt  }
0x4f: {  	_ =	shalt  }
0x50: {  	_ =	shalt  }
0x51: {  	_ =	shalt  }
0x52: {  	_ =	shalt  }
0x53: {  	_ =	shalt  }
0x54: {  	_ =	shalt  }
0x55: {  	_ =	shalt  }
0x56: {  	_ =	shalt  }
0x57: {  	_ =	shalt  }
0x58: {  	_ =	shalt  }
0x59: {  	_ =	shalt  }
0x5a: {  	_ =	shalt  }
0x5b: {  	_ =	shalt  }
0x5c: {  	_ =	shalt  }
0x5d: {  	_ =	shalt  }
0x5e: {  	_ =	shalt  }
0x5f: {  	_ =	shalt  }
0x60: {  	_ =	shalt  }
0x61: {  	_ =	shalt  }
0x62: {  	_ =	shalt  }
0x63: {  	_ =	shalt  }
0x64: {  	_ =	shalt  }
0x65: {  	_ =	shalt  }
0x66: {  	_ =	shalt  }
0x67: {  	_ =	shalt  }
0x68: {  	_ =	shalt  }
0x69: {  	_ =	shalt  }
0x6a: {  	_ =	shalt  }
0x6b: {  	_ =	shalt  }
0x6c: {  	_ =	shalt  }
0x6d: {  	_ =	shalt  }
0x6e: {  	_ =	shalt  }
0x6f: {  	_ =	shalt  }
0x70: {  	_ =	shalt  }
0x71: {  	_ =	shalt  }
0x72: {  	_ =	shalt  }
0x73: {  	_ =	shalt  }
0x74: {  	_ =	shalt  }
0x75: {  	_ =	shalt  }
0x76: {  	_ =	shalt  }
0x77: {  	_ =	shalt  }
0x78: {  	_ =	shalt  }
0x79: {  	_ =	shalt  }
0x7a: {  	_ =	shalt  }
0x7b: {  	_ =	shalt  }
0x7c: {  	_ =	shalt  }
0x7d: {  	_ =	shalt  }
0x7e: {  	_ =	shalt  }
0x7f: {  	_ =	shalt  }
0x80: {  	_ =	shalt  }
0x81: {  	_ =	shalt  }
0x82: {  	_ =	shalt  }
0x83: {  	_ =	shalt  }
0x84: {  	_ =	shalt  }
0x85: {  	_ =	shalt  }
0x86: {  	_ =	shalt  }
0x87: {  	_ =	shalt  }
.Lfunc_end0:
.L_simem_size_0:
called_computation.1_lowered:
.L_overlay_start_0:
0x88: {  	s2 =	sld [smem:$0x3FD9]  }
0x89: {  	s3 =	sld [smem:$0x3FFE];
	_ =	sdelay $0x1  }
0x8a: {  	s1 =	srdreg.scid  }
0x8b: {  	s0 =	sand.u32 $0x1, s1  }
0x8c: {  	s17 =	sshll.u32 s0, $0xA;
	s2 =	sadd.s32 s3, s2  }
0x8d: {  	s2 =	sadd.s32 s2, s17  }
0x8e: {  	[smem:$0x3FC6] =	sst s2  }
0x8f: {  	_ = 	snop  }
0x90: {  	s2 =	sld [smem:$0x3FD0];
	(tm) =	ssettm $0x1  }
0x91: {  	s18 =	sld [smem:$0x3FFB];
	_ =	sdelay $0x3  }
0x92: {  	_ =	strace s18  }
0x93: {  	s3 =	sld [smem:$0x3FFC];
	_ =	sdelay $0x3  }
0x94: {  	_ =	strace s3  }
0x95: {  	s3 =	sld [smem:$0x3FFD];
	_ =	sdelay $0x3  }
0x96: {  	_ =	strace s3  }
0x97: {  	_ =	strace $0x8FFFFFFF  }
0x98: {  	s19 =	sld [smem:$0x3FDB];
	_ =	sdelay $0x1  }
0x99: {  	s4 =	simm.s32 $_scs_section_size  }
0x9a: {  	s5 =	simm.s32 $_size__tile_overlayer_lowered;
	s6 =	simm.s32 $_tile_overlayer_lowered  }
0x9b: {  	s22 =	simm.s32 $0x1BFF;
	s21 =	sshll.u32 s6, $0x1;
	s3 =	sadd.s32 s4, s19  }
0x9c: {  	s7 =	simm.s32 $0x0;
	s20 =	sshll.u32 s5, $0x1;
	s5 =	sadd.s32 s21, s3  }
0x9d: {  	[timem:s7], [sflag:s22] =	dma.local [hbm:s5], s20  }
0x9e: {  	_ =	swait.ge [sflag:s22], s20  }
0x9f: {  	s4 =	ssub.s32 $0x0, s20;
	[sflag:s22] =	ssyncset.done $0x0  }
0xa0: {  	[sflag:s22] =	ssyncadd.s32 s4;
	_ =	sdelay $0x1  }
0xa1: {  	s23 =	simm.s32 $0x1B8B  }
0xa2: {  	_ =	swait.ge [sflag:s23], $0x1  }
0xa3: {  	[sflag:s23] =	ssyncset.done $0x0  }
0xa4: {  	s25 =	simm.s32 $0x1B8E;
	s24 =	sld [smem:$0x3FFE];
	[sflag:s23] =	ssyncadd.s32 $0xFFFFFFFF  }
0xa5: {  	s26 =	simm.s32 $execute0_lowered;
	[smem:$0x3FD2] =	sst s25  }
0xa6: {  	s5 =	sshll.u32 s26, $0x1;
	_ =	strace $0x80000046;
	[dreg:$0x1] =	wrdreg $0xFFFFFFFF  }
0xa7: {  	s28 =	simm.s32 $_size_execute0_lowered;
	s3 =	sadd.s32 s3, s5;
	[dreg:$0x0] =	wrdreg $0x0  }
0xa8: {  	s5 =	sshll.u32 s28, $0x1;
	[dreg:$0x2] =	wrdreg s3  }
0xa9: {  	[dreg:$0x3] =	wrdreg s5  }
0xaa: {  	[dreg:$0x4] =	wrdreg $0xC0  }
0xab: {  	_ =	task [dreg:s7], $0x5FFFF  }
0xac: {  	[dreg:$0x1] =	wrdreg $0xFFFFFFFF  }
0xad: {  	[dreg:$0x0] =	wrdreg $0x60  }
0xae: {  	[dreg:$0x2] =	wrdreg s24  }
0xaf: {  	[dreg:$0x3] =	wrdreg s2  }
0xb0: {  	[dreg:$0x4] =	wrdreg $0x9  }
0xb1: {  	_ =	task.clear_ibuf [dreg:s7], $0x5FFFF;
	_ =	strace $0x90000046  }
0xb2: {  	s29 =	simm.s32 $0x9;
	_ =	strace $0x80000048  }
0xb3: {  	_ =	swait.ge [sflag:s29], $0x1  }
0xb4: {  	[sflag:s29] =	ssyncadd.s32 $0xFFFFFFFF  }
0xb5: {  	_ =	strace $0x90000048  }
0xb6: {  	_ =	sfence  }
0xb7: {  	s30 =	sld [smem:$0x0];
	_ =	sdelay $0x2  }
0xb8: {  	s31 =	sshll.u32 s1, $0xD;
	s1 =	sshrl.u32 s1, $0x2  }
0xb9: {  	s3 =	sand.u32 $0x4000, s31;
	s1 =	sadd.s32 s1, s30  }
0xba: {  	s0 =	sor.u32 s3, s0;
	s1 =	sshll.u32 s1, $0x11  }
0xbb: {  	s0 =	sor.u32 s1, s0  }
0xbc: {  	s0 =	sadd.s32 $0x8F2B, s0  }
0xbd: {  	[sflag:s0] =	ssyncadd.remote.s32 $0x1  }
0xbe: {  	_ =	sfence.sel $0xFFFF  }
0xbf: {  	[dreg:$0x0] =	wrdreg $0xFFFFFFFF;
	(pc) =	sbr.abs _section_cstart, $3  }
0xc0: {  	[dreg:$0x1] =	wrdreg $0xFFFFFFFF  }
0xc1: {  	_ =	task.clear_ibuf [dreg:s7], $0x2FFFF;
	_ =	strace $0x9FFFFFFF  }
0xc2: {  	(tm) =	ssettm $0x7FFFFFFF  }
0xc3: {  	_ =	shalt  }
tec
execute0_lowered:
.L_overlay_start_1:
0x0: {  	(tag) =	ssettag $0x1  }
0x1: {  	s1 =	srdreg.scid;
	s3 =	rddreg [dreg:$0x0]  }
0x2: {  	s0 =	stileid.u32;
	s5 =	rddreg [dreg:$0x1]  }
0x3: {  	s2 =	simm.s32 $0x0;
	s12 =	simm.s32 $0x9600;
	s13 =	simm.s32 $0x190  }
0x4: {  	s14 =	simm.s32 $0xC800;
	s15 =	simm.s32 $0x258;
	s16 =	simm.s32 $0xFA00  }
0x5: {  	s17 =	simm.s32 $0x1;
	s18 =	simm.s32 $0x320;
	s19 =	simm.s32 $0x12C00  }
0x6: {  	s20 =	simm.s32 $0x3E8;
	s21 =	simm.s32 $0x15E00;
	s22 =	simm.s32 $0x4B0  }
0x7: {  	s23 =	simm.s32 $0x19000;
	s24 =	simm.s32 $0x578;
	s25 =	simm.s32 $0x1C200  }
0x8: {  	s26 =	simm.s32 $0x2;
	s28 =	simm.s32 $0x0;
	s4 =	sand.u32 $0x1, s1  }
0x9: {  	s6 =	sshll.u32 s0, $0x8;
	s9 =	smul.u32 $0x64000, s0;
	s7 =	sshll.u32 s4, $0x7  }
0xa: {  	[smem:$0x7FF] =	sst s2;
	s11 =	smul.u32 $0x32000, s4;
	s6 =	sor.u32 s7, s6  }
0xb: {  	_ =	strace $0x80000047;
	s8 =	ssub.s32 $0x2, s4;
	s7 =	smul.u32 $0x19, s6  }
0xc: {  	s10 =	sshrl.u32 s8, $0x1;
	s9 =	sadd.s32 s9, s5;
	s6 =	smul.u32 $0x640, s6  }
0xd: {  	s8 =	ssub.s32 s8, s10;
	s9 =	sadd.s32 s11, s9;
	s10 =	simm.s32 $0xC8  }
0xe: {  	s11 =	simm.s32 $0x6400;
	s7 =	sadd.s32 s7, s3;
	s4 =	sadd.s32 s5, s6  }
0xf: {  	s3 =	sadd.s32 $0xF42E00, s3;
	s5 =	sadd.s32 $0xA00, s7;
	s6 =	sadd.s32 $0x1900, s4  }
0x10: {  	s7 =	smax.u32 s8, $0x1;
	s8 =	sadd.s32 $0x3200, s9;
	s9 =	simm.s32 $0x3  }
.LBB2_1:
0x11: {  	[tilespmem:s2], [sflag:$0x3] =	stream.linear.gather [hbm4b:s5+s2], $0x6400, $0x38;
	[tilespmem:$0x1F400] =	vst v63  }
0x12: {  	_ =	swait.ge [sflag:s9], $0x6400  }
0x13: {  	[sflag:s9] =	ssyncset.done $0x0  }
0x14: {  	[sflag:s9] =	ssyncadd.s32 $0xFFFF9C00  }
0x15: {  	[tilespmem:s11], [sflag:$0x1] =	stream.indirect.gather [hbm4b:s3+s10], $0x40, s2, s10, $0xb8;
	[tilespmem:$0x1F400] =	vst v63  }
0x16: {  	_ = 	snop  }
0x17: {  	[tilespmem:s12], [sflag:$0x1] =	stream.indirect.gather [hbm4b:s3+s10], $0x40, s10, s10, $0xb8;
	[tilespmem:$0x1F400] =	vst v63  }
0x18: {  	_ = 	snop  }
0x19: {  	[tilespmem:s14], [sflag:$0x1] =	stream.indirect.gather [hbm4b:s3+s10], $0x40, s13, s10, $0xb8;
	[tilespmem:$0x1F400] =	vst v63  }
0x1a: {  	_ = 	snop  }
0x1b: {  	[tilespmem:s16], [sflag:$0x1] =	stream.indirect.gather [hbm4b:s3+s10], $0x40, s15, s10, $0xb8;
	[tilespmem:$0x1F400] =	vst v63  }
0x1c: {  	_ =	swait.ge [sflag:s17], $0x3200  }
0x1d: {  	[sflag:s17] =	ssyncset.done $0x0  }
0x1e: {  	[sflag:s17] =	ssyncadd.s32 $0xFFFFCE00  }
0x1f: {  	_ =	swait.ge [sflag:s17], $0x3200  }
0x20: {  	[sflag:s17] =	ssyncset.done $0x0  }
0x21: {  	[sflag:s17] =	ssyncadd.s32 $0xFFFFCE00  }
0x22: {  	_ =	swait.ge [sflag:s17], $0x3200  }
0x23: {  	[sflag:s17] =	ssyncset.done $0x0  }
0x24: {  	[sflag:s17] =	ssyncadd.s32 $0xFFFFCE00  }
0x25: {  	_ =	swait.ge [sflag:s17], $0x3200  }
0x26: {  	[sflag:s17] =	ssyncset.done $0x0  }
0x27: {  	[sflag:s17] =	ssyncadd.s32 $0xFFFFCE00  }
0x28: {  	[hbm4b:s4+s2] =	stream.linear.scatter [tilespmem:s11], [sflag:$0x2], $0xC800, $0x38;
	[tilespmem:$0x1F400] =	vst v63  }
0x29: {  	_ = 	snop  }
0x2a: {  	[tilespmem:s19], [sflag:$0x1] =	stream.indirect.gather [hbm4b:s3+s10], $0x40, s18, s10, $0xb8;
	[tilespmem:$0x1F400] =	vst v63  }
0x2b: {  	_ = 	snop  }
0x2c: {  	[tilespmem:s21], [sflag:$0x1] =	stream.indirect.gather [hbm4b:s3+s10], $0x40, s20, s10, $0xb8;
	[tilespmem:$0x1F400] =	vst v63  }
0x2d: {  	_ = 	snop  }
0x2e: {  	[tilespmem:s23], [sflag:$0x1] =	stream.indirect.gather [hbm4b:s3+s10], $0x40, s22, s10, $0xb8;
	[tilespmem:$0x1F400] =	vst v63  }
0x2f: {  	_ = 	snop  }
0x30: {  	[tilespmem:s25], [sflag:$0x1] =	stream.indirect.gather [hbm4b:s3+s10], $0x40, s24, s10, $0xb8;
	[tilespmem:$0x1F400] =	vst v63  }
0x31: {  	_ =	swait.ge [sflag:s17], $0x3200  }
0x32: {  	[sflag:s17] =	ssyncset.done $0x0  }
0x33: {  	[sflag:s17] =	ssyncadd.s32 $0xFFFFCE00  }
0x34: {  	_ =	swait.ge [sflag:s17], $0x3200  }
0x35: {  	[sflag:s17] =	ssyncset.done $0x0  }
0x36: {  	[sflag:s17] =	ssyncadd.s32 $0xFFFFCE00  }
0x37: {  	_ =	swait.ge [sflag:s17], $0x3200  }
0x38: {  	[sflag:s17] =	ssyncset.done $0x0  }
0x39: {  	[sflag:s17] =	ssyncadd.s32 $0xFFFFCE00  }
0x3a: {  	_ =	swait.ge [sflag:s17], $0x3200  }
0x3b: {  	[sflag:s17] =	ssyncset.done $0x0  }
0x3c: {  	[sflag:s17] =	ssyncadd.s32 $0xFFFFCE00  }
0x3d: {  	[hbm4b:s6+s2] =	stream.linear.scatter [tilespmem:s19], [sflag:$0x2], $0xC800, $0x38;
	[tilespmem:$0x1F400] =	vst v63  }
0x3e: {  	_ =	swait.ge [sflag:s26], $0xC800  }
0x3f: {  	[sflag:s26] =	ssyncset.done $0x0  }
0x40: {  	s29 =	simm.s32 $0x640;
	[sflag:s26] =	ssyncadd.s32 $0xFFFF3800  }
0x41: {  	[tilespmem:s11], [sflag:$0x1] =	stream.indirect.gather [hbm4b:s3+s10], $0x40, s29, s10, $0xb8;
	[tilespmem:$0x1F400] =	vst v63  }
0x42: {  	s29 =	simm.s32 $0x708  }
0x43: {  	[tilespmem:s12], [sflag:$0x1] =	stream.indirect.gather [hbm4b:s3+s10], $0x40, s29, s10, $0xb8;
	[tilespmem:$0x1F400] =	vst v63  }
0x44: {  	s29 =	simm.s32 $0x7D0  }
0x45: {  	[tilespmem:s14], [sflag:$0x1] =	stream.indirect.gather [hbm4b:s3+s10], $0x40, s29, s10, $0xb8;
	[tilespmem:$0x1F400] =	vst v63  }
0x46: {  	s29 =	simm.s32 $0x898  }
0x47: {  	[tilespmem:s16], [sflag:$0x1] =	stream.indirect.gather [hbm4b:s3+s10], $0x40, s29, s10, $0xb8;
	[tilespmem:$0x1F400] =	vst v63  }
0x48: {  	_ =	swait.ge [sflag:s17], $0x3200  }
0x49: {  	[sflag:s17] =	ssyncset.done $0x0  }
0x4a: {  	[sflag:s17] =	ssyncadd.s32 $0xFFFFCE00  }
0x4b: {  	_ =	swait.ge [sflag:s17], $0x3200  }
0x4c: {  	[sflag:s17] =	ssyncset.done $0x0  }
0x4d: {  	[sflag:s17] =	ssyncadd.s32 $0xFFFFCE00  }
0x4e: {  	_ =	swait.ge [sflag:s17], $0x3200  }
0x4f: {  	[sflag:s17] =	ssyncset.done $0x0  }
0x50: {  	[sflag:s17] =	ssyncadd.s32 $0xFFFFCE00  }
0x51: {  	_ =	swait.ge [sflag:s17], $0x3200  }
0x52: {  	[sflag:s17] =	ssyncset.done $0x0  }
0x53: {  	[sflag:s17] =	ssyncadd.s32 $0xFFFFCE00  }
0x54: {  	[hbm4b:s8+s2] =	stream.linear.scatter [tilespmem:s11], [sflag:$0x2], $0xC800, $0x38;
	[tilespmem:$0x1F400] =	vst v63  }
0x55: {  	_ =	swait.ge [sflag:s26], $0xC800  }
0x56: {  	[sflag:s26] =	ssyncset.done $0x0  }
0x57: {  	s29 =	simm.s32 $0x960;
	[sflag:s26] =	ssyncadd.s32 $0xFFFF3800  }
0x58: {  	[tilespmem:s19], [sflag:$0x1] =	stream.indirect.gather [hbm4b:s3+s10], $0x40, s29, s10, $0xb8;
	[tilespmem:$0x1F400] =	vst v63  }
0x59: {  	s29 =	simm.s32 $0xA28  }
0x5a: {  	[tilespmem:s21], [sflag:$0x1] =	stream.indirect.gather [hbm4b:s3+s10], $0x40, s29, s10, $0xb8;
	[tilespmem:$0x1F400] =	vst v63  }
0x5b: {  	s29 =	simm.s32 $0xAF0  }
0x5c: {  	[tilespmem:s23], [sflag:$0x1] =	stream.indirect.gather [hbm4b:s3+s10], $0x40, s29, s10, $0xb8;
	[tilespmem:$0x1F400] =	vst v63  }
0x5d: {  	s29 =	simm.s32 $0xBB8  }
0x5e: {  	[tilespmem:s25], [sflag:$0x1] =	stream.indirect.gather [hbm4b:s3+s10], $0x40, s29, s10, $0xb8;
	[tilespmem:$0x1F400] =	vst v63  }
0x5f: {  	_ =	swait.ge [sflag:s17], $0x3200  }
0x60: {  	[sflag:s17] =	ssyncset.done $0x0  }
0x61: {  	[sflag:s17] =	ssyncadd.s32 $0xFFFFCE00  }
0x62: {  	_ =	swait.ge [sflag:s17], $0x3200  }
0x63: {  	[sflag:s17] =	ssyncset.done $0x0  }
0x64: {  	[sflag:s17] =	ssyncadd.s32 $0xFFFFCE00  }
0x65: {  	_ =	swait.ge [sflag:s17], $0x3200  }
0x66: {  	[sflag:s17] =	ssyncset.done $0x0  }
0x67: {  	[sflag:s17] =	ssyncadd.s32 $0xFFFFCE00  }
0x68: {  	_ =	swait.ge [sflag:s17], $0x3200  }
0x69: {  	s31 =	sadd.s32 $0x1900, s8;
	[sflag:s17] =	ssyncset.done $0x0  }
0x6a: {  	s30 =	sadd.s32 $0x3200, s8;
	s29 =	simm.s32 $0x1900;
	[sflag:s17] =	ssyncadd.s32 $0xFFFFCE00  }
.LBB2_2:
0x6b: {  	[hbm4b:s31+s2] =	stream.linear.scatter [tilespmem:s19], [sflag:$0x2], $0xC800, $0x38;
	[tilespmem:$0x1F400] =	vst v63  }
0x6c: {  	s31 =	smov.u32 s29  }
0x6d: {  	p0 =	sne.s32 s29, $0x15E00;
	s29 =	sadd.s32 $0x1900, s29;
	_ =	swait.ge [sflag:s26], $0xC800  }
0x6e: {  	s31 =	sshra.s32 s31, $0x2;
	[sflag:s26] =	ssyncset.done $0x0  }
0x6f: {  	s1 =	sadd.s32 $0x640, s31;
	[sflag:s26] =	ssyncadd.s32 $0xFFFF3800  }
0x70: {  	[tilespmem:s11], [sflag:$0x1] =	stream.indirect.gather [hbm4b:s3+s10], $0x40, s1, s10, $0xb8;
	[tilespmem:$0x1F400] =	vst v63  }
0x71: {  	s1 =	sadd.s32 $0x708, s31  }
0x72: {  	[tilespmem:s12], [sflag:$0x1] =	stream.indirect.gather [hbm4b:s3+s10], $0x40, s1, s10, $0xb8;
	[tilespmem:$0x1F400] =	vst v63  }
0x73: {  	s1 =	sadd.s32 $0x7D0, s31  }
0x74: {  	[tilespmem:s14], [sflag:$0x1] =	stream.indirect.gather [hbm4b:s3+s10], $0x40, s1, s10, $0xb8;
	[tilespmem:$0x1F400] =	vst v63  }
0x75: {  	s1 =	sadd.s32 $0x898, s31  }
0x76: {  	[tilespmem:s16], [sflag:$0x1] =	stream.indirect.gather [hbm4b:s3+s10], $0x40, s1, s10, $0xb8;
	[tilespmem:$0x1F400] =	vst v63  }
0x77: {  	_ =	swait.ge [sflag:s17], $0x3200  }
0x78: {  	[sflag:s17] =	ssyncset.done $0x0  }
0x79: {  	[sflag:s17] =	ssyncadd.s32 $0xFFFFCE00  }
0x7a: {  	_ =	swait.ge [sflag:s17], $0x3200  }
0x7b: {  	[sflag:s17] =	ssyncset.done $0x0  }
0x7c: {  	[sflag:s17] =	ssyncadd.s32 $0xFFFFCE00  }
0x7d: {  	_ =	swait.ge [sflag:s17], $0x3200  }
0x7e: {  	[sflag:s17] =	ssyncset.done $0x0  }
0x7f: {  	[sflag:s17] =	ssyncadd.s32 $0xFFFFCE00  }
0x80: {  	_ =	swait.ge [sflag:s17], $0x3200  }
0x81: {  	[sflag:s17] =	ssyncset.done $0x0  }
0x82: {  	[sflag:s17] =	ssyncadd.s32 $0xFFFFCE00  }
0x83: {  	[hbm4b:s30+s2] =	stream.linear.scatter [tilespmem:s11], [sflag:$0x2], $0xC800, $0x38;
	[tilespmem:$0x1F400] =	vst v63  }
0x84: {  	_ =	swait.ge [sflag:s26], $0xC800  }
0x85: {  	[sflag:s26] =	ssyncset.done $0x0  }
0x86: {  	s1 =	sadd.s32 $0x960, s31;
	[sflag:s26] =	ssyncadd.s32 $0xFFFF3800  }
0x87: {  	[tilespmem:s19], [sflag:$0x1] =	stream.indirect.gather [hbm4b:s3+s10], $0x40, s1, s10, $0xb8;
	[tilespmem:$0x1F400] =	vst v63  }
0x88: {  	s1 =	sadd.s32 $0xA28, s31  }
0x89: {  	[tilespmem:s21], [sflag:$0x1] =	stream.indirect.gather [hbm4b:s3+s10], $0x40, s1, s10, $0xb8;
	[tilespmem:$0x1F400] =	vst v63  }
0x8a: {  	s1 =	sadd.s32 $0xAF0, s31  }
0x8b: {  	[tilespmem:s23], [sflag:$0x1] =	stream.indirect.gather [hbm4b:s3+s10], $0x40, s1, s10, $0xb8;
	[tilespmem:$0x1F400] =	vst v63  }
0x8c: {  	s1 =	sadd.s32 $0xBB8, s31  }
0x8d: {  	[tilespmem:s25], [sflag:$0x1] =	stream.indirect.gather [hbm4b:s3+s10], $0x40, s1, s10, $0xb8;
	[tilespmem:$0x1F400] =	vst v63  }
0x8e: {  	_ =	swait.ge [sflag:s17], $0x3200  }
0x8f: {  	[sflag:s17] =	ssyncset.done $0x0  }
0x90: {  	[sflag:s17] =	ssyncadd.s32 $0xFFFFCE00  }
0x91: {  	_ =	swait.ge [sflag:s17], $0x3200  }
0x92: {  	[sflag:s17] =	ssyncset.done $0x0  }
0x93: {  	[sflag:s17] =	ssyncadd.s32 $0xFFFFCE00  }
0x94: {  	_ =	swait.ge [sflag:s17], $0x3200  }
.Ltmp0:
0x95: {  	[sflag:s17] =	ssyncset.done $0x0;
	(pc) =	sbr.rel @p0 .LBB2_2-.Ltmp0, $4  }
0x96: {  	[sflag:s17] =	ssyncadd.s32 $0xFFFFCE00  }
0x97: {  	_ =	swait.ge [sflag:s17], $0x3200  }
0x98: {  	[sflag:s17] =	ssyncset.done $0x0  }
0x99: {  	s31 =	sadd.s32 $0x1900, s30;
	s30 =	sadd.s32 $0x3200, s30;
	[sflag:s17] =	ssyncadd.s32 $0xFFFFCE00  }
0x9a: {  	[hbm4b:s31+s2] =	stream.linear.scatter [tilespmem:s19], [sflag:$0x2], $0xC800, $0x38;
	[tilespmem:$0x1F400] =	vst v63  }
0x9b: {  	s28 =	sadd.s32 $0x1, s28  }
0x9c: {  	_ =	swait.ge [sflag:s26], $0xC800;
	p0 =	sne.s32 s28, s7  }
.Ltmp1:
0x9d: {  	[sflag:s26] =	ssyncset.done $0x0;
	(pc) =	sbr.rel @p0 .LBB2_1-.Ltmp1, $4  }
0x9e: {  	[sflag:s26] =	ssyncadd.s32 $0xFFFF3800  }
0x9f: {  	_ =	swait.ge [sflag:s26], $0xC800  }
0xa0: {  	[sflag:s26] =	ssyncset.done $0x0  }
0xa1: {  	[sflag:s26] =	ssyncadd.s32 $0xFFFF3800  }
0xa2: {  	_ =	sfence.sel $0x180000  }
0xa3: {  	[bflag:$0x0] =	sbarrier.arrive $0xFFFF  }
0xa4: {  	_ =	strace $0x90000047  }
0xa5: {  	[bflag:$0x2] =	sbarrier.arrive $0xFFFF  }
0xa6: {  	p0 =	sne.s32 s0, $0x0;
	s0 =	rddreg [dreg:$0x2]  }
0xa7: {  	s0 =	sadd.s32 @!p0 $0x100000, s0  }
0xa8: {  	[sflag:s0] =	ssyncadd.tile.s32 @!p0 $0x1;
	_ =	shalt  }
.Lfunc_end2:
_tile_overlayer_lowered:
.L_overlay_start_2:
0xa9: {  	(tag) =	ssettag $0x2  }
0xaa: {  	s0 =	rddreg [dreg:$0x0];
	s2 =	stileid.u32  }
0xab: {  	s1 =	rddreg [dreg:$0x1];
	p0 =	sne.s32 s2, $0x0  }
0xac: {  	s3 =	rddreg [dreg:$0x2];
	[bflag:$0x3] =	sbarrier.arrive $0xFFFF;
	s2 =	simm.s32 @!p0 $0x1C03  }
0xad: {  	[timem:s3], [sflag:s2] =	dma.local @!p0 [hbm:s0], s1  }
0xae: {  	s0 =	simm.s32 @!p0 $0x3  }
0xaf: {  	_ =	swait.ge @!p0 [sflag:s0], s1  }
0xb0: {  	s1 =	ssub.s32 @!p0 $0x0, s1;
	[sflag:s0] =	ssyncset.done @!p0 $0x0  }
0xb1: {  	[sflag:s0] =	ssyncadd.s32 @!p0 s1  }
0xb2: {  	[bflag:$0x3] =	sbarrier.arrive $0xFFFF  }
0xb3: {  	_ =	shalt  }

// kernel: sparse-core-data-format-call.cloned.1.call-start
scs
called_computation_lowered:
.L_overlay_start_0:
0x0: {  	s2 =	sld [smem:$0x3FD9]  }
0x1: {  	s3 =	sld [smem:$0x3FFE];
	_ =	sdelay $0x1  }
0x2: {  	s1 =	srdreg.scid  }
0x3: {  	s0 =	sand.u32 $0x1, s1  }
0x4: {  	s18 =	sshll.u32 s0, $0xA;
	s2 =	sadd.s32 s3, s2  }
0x5: {  	s2 =	sadd.s32 s2, s18  }
0x6: {  	[smem:$0x3FC6] =	sst s2  }
0x7: {  	_ = 	snop  }
0x8: {  	s2 =	sld [smem:$0x3FD0];
	(tm) =	ssettm $0x1  }
0x9: {  	s19 =	sld [smem:$0x3FFB];
	_ =	sdelay $0x3  }
0xa: {  	_ =	strace s19  }
0xb: {  	s3 =	sld [smem:$0x3FFC];
	_ =	sdelay $0x3  }
0xc: {  	_ =	strace s3  }
0xd: {  	s3 =	sld [smem:$0x3FFD];
	_ =	sdelay $0x3  }
0xe: {  	_ =	strace s3  }
0xf: {  	_ =	strace $0x8FFFFFFF  }
0x10: {  	s20 =	sld [smem:$0x3FDB];
	_ =	sdelay $0x1  }
0x11: {  	s4 =	simm.s32 $_scs_section_size  }
0x12: {  	s5 =	simm.s32 $_size__tile_overlayer_lowered;
	s6 =	simm.s32 $_tile_overlayer_lowered  }
0x13: {  	s23 =	simm.s32 $0x1BFF;
	s22 =	sshll.u32 s6, $0x1;
	s3 =	sadd.s32 s4, s20  }
0x14: {  	s7 =	simm.s32 $0x0;
	s21 =	sshll.u32 s5, $0x1;
	s5 =	sadd.s32 s22, s3  }
0x15: {  	[timem:s7], [sflag:s23] =	dma.local [hbm:s5], s21  }
0x16: {  	_ =	swait.ge [sflag:s23], s21  }
0x17: {  	s4 =	ssub.s32 $0x0, s21;
	[sflag:s23] =	ssyncset.done $0x0  }
0x18: {  	[sflag:s23] =	ssyncadd.s32 s4;
	_ =	sdelay $0x1  }
0x19: {  	s24 =	simm.s32 $0x1B8B  }
0x1a: {  	_ =	swait.ge [sflag:s24], $0x1  }
0x1b: {  	[sflag:s24] =	ssyncset.done $0x0  }
0x1c: {  	s26 =	simm.s32 $0x1B8E;
	s25 =	sld [smem:$0x3FFE];
	[sflag:s24] =	ssyncadd.s32 $0xFFFFFFFF  }
0x1d: {  	s27 =	simm.s32 $execute0_lowered;
	[smem:$0x3FD2] =	sst s26  }
0x1e: {  	s5 =	sshll.u32 s27, $0x1;
	_ =	strace $0x80000049;
	[dreg:$0x1] =	wrdreg $0xFFFFFFFF  }
0x1f: {  	s28 =	simm.s32 $_size_execute0_lowered;
	s3 =	sadd.s32 s3, s5;
	[dreg:$0x0] =	wrdreg $0x0  }
0x20: {  	s5 =	sshll.u32 s28, $0x1;
	[dreg:$0x2] =	wrdreg s3  }
0x21: {  	[dreg:$0x3] =	wrdreg s5  }
0x22: {  	[dreg:$0x4] =	wrdreg $0xC0  }
0x23: {  	_ =	task [dreg:s7], $0x5FFFF  }
0x24: {  	[dreg:$0x1] =	wrdreg $0xFFFFFFFF  }
0x25: {  	[dreg:$0x0] =	wrdreg $0x60  }
0x26: {  	[dreg:$0x2] =	wrdreg s25  }
0x27: {  	[dreg:$0x3] =	wrdreg s2  }
0x28: {  	[dreg:$0x4] =	wrdreg $0x9  }
0x29: {  	_ =	task.clear_ibuf [dreg:s7], $0x5FFFF;
	_ =	strace $0x90000049  }
0x2a: {  	s29 =	simm.s32 $0x9;
	_ =	strace $0x8000004B  }
0x2b: {  	_ =	swait.ge [sflag:s29], $0x1  }
0x2c: {  	[sflag:s29] =	ssyncadd.s32 $0xFFFFFFFF  }
0x2d: {  	_ =	strace $0x9000004B  }
0x2e: {  	_ =	sfence  }
0x2f: {  	s30 =	sld [smem:$0x0];
	_ =	sdelay $0x2  }
0x30: {  	s31 =	sshll.u32 s1, $0xD;
	s1 =	sshrl.u32 s1, $0x2  }
0x31: {  	s3 =	sand.u32 $0x4000, s31;
	s1 =	sadd.s32 s1, s30  }
0x32: {  	s0 =	sor.u32 s3, s0;
	s1 =	sshll.u32 s1, $0x11  }
0x33: {  	s0 =	sor.u32 s1, s0  }
0x34: {  	s0 =	sadd.s32 $0x8F2B, s0  }
0x35: {  	[sflag:s0] =	ssyncadd.remote.s32 $0x1  }
0x36: {  	_ =	sfence.sel $0xFFFF  }
0x37: {  	[dreg:$0x0] =	wrdreg $0xFFFFFFFF;
	(pc) =	sbr.abs _section_cstart, $3  }
0x38: {  	[dreg:$0x1] =	wrdreg $0xFFFFFFFF  }
0x39: {  	_ =	task.clear_ibuf [dreg:s7], $0x2FFFF;
	_ =	strace $0x9FFFFFFF  }
0x3a: {  	(tm) =	ssettm $0x7FFFFFFF  }
0x3b: {  	_ =	shalt  }
tec
execute0_lowered:
.L_overlay_start_1:
0x0: {  	(tag) =	ssettag $0x1  }
0x1: {  	s0 =	srdreg.scid  }
0x2: {  	s1 =	sshll.u32 s0, $0x4  }
0x3: {  	s0 =	stileid.u32;
	s1 =	sand.u32 $0x10, s1  }
0x4: {  	s1 =	sor.u32 s0, s1  }
0x5: {  	s6 =	rddreg [dreg:$0x0];
	s4 =	simm.s32 $0x1;
	s2 =	sshll.u32 s1, $0x7  }
0x6: {  	s7 =	simm.s32 $0x2;
	s12 =	simm.s32 $0x0;
	s1 =	ssub.s32 $0x1000, s2  }
0x7: {  	s8 =	simm.s32 $0x8000;
	s13 =	simm.s32 $0x0;
	s3 =	sand.u32 $0xF80, s1  }
0x8: {  	s9 =	simm.s32 $0x0;
	s5 =	sshrl.u32 s1, $0xC;
	p0 =	sne.s32 s3, $0x0  }
.Ltmp0:
0x9: {  	s1 =	rddreg [dreg:$0x2];
	s4 =	simm.s32 @!p0 $0x0;
	(pc) =	sbr.rel .LBB1_1-.Ltmp0, $4  }
0xa: {  	s11 =	simm.s32 $0x0;
	s3 =	rddreg [dreg:$0x1];
	s5 =	sadd.s32 s4, s5  }
0xb: {  	_ =	strace $0x8000004A;
	s4 =	simm.s32 $0x1;
	s5 =	smul.u32 $0xC8, s5  }
0xc: {  	s6 =	sadd.s32 $0xA00, s6;
	s10 =	smov.u32 s2;
	[sflag:s4] =	ssyncpa.u1 $0x0  }
0xd: {  	p0 =	por $0x0, $0x0;
	[sflag:s7] =	ssyncpa.u1 $0x0;
	s7 =	sor.u32 $0x1, s5  }
.LBB1_4:
0xe: {  	s16 =	sshll.u32 s13, $0x3;
	s17 =	sand.u32 $0x78, s13  }
0xf: {  	s30 =	sand.u32 $0x7E00, s13;
	s12 =	sshll.u32 s12, $0xF;
	s16 =	sand.u32 $0xC00, s16  }
0x10: {  	[tilespmem:s15+$0x810 ss:$0x81] =	vst.msk $0xffff, v2;
	s31 =	sand.u32 $0x7, s13;
	s16 =	sor.u32 s17, s16;
	s17 =	sadd.s32 s3, s30  }
0x11: {  	[tilespmem:s15+$0x1020 ss:$0x81] =	vst.msk $0xffff, v0;
	s13 =	sshll.u32 s31, $0x12;
	s12 =	sadd.s32 s12, s17;
	s16 =	sshrl.u32 s16, $0x3  }
0x12: {  	[tilespmem:s15+$0x0 ss:$0x81] =	vst.msk $0xffff, v1;
	s13 =	sor.u32 $0x400, s13;
	s12 =	sadd.s32 s16, s12  }
0x13: {  	[hbm4b:s12+s13] =	stream.strided.scatter [tilespmem:s14], [sflag:$0x2], $0x2000, s8, s13, $0x20;
	[tilespmem:$0x8080] =	vst v63  }
.LBB1_5:
0x14: {  	s14 =	sadd.s32 $0x1, s9  }
0x15: {  	s12 =	sadd.s32 $0x1000, s10;
	s16 =	smov.u32 s10;
	p2 =	sgt.s32 s14, $0xC7  }
0x16: {  	s16 =	smov.u32 @p2 s12  }
0x17: {  	s14 =	simm.s32 @p2 $0x0;
	p2 =	sgt.s32 s16, $0xFFF  }
0x18: {  	s16 =	smov.u32 @p2 s2;
	p2 =	sne.s32 s11, s7  }
.Ltmp1:
0x19: {  	p1 =	slt.u32 s11, $0x2;
	(pc) =	sbr.rel @!p2 .LBB1_6-.Ltmp1, $4  }
0x1a: {  	s15 =	simm.s32 @!p1 $0x2  }
0x1b: {  	s13 =	smov.u32 s10;
	p0 =	por !p0, !p0;
	_ =	swait.ge @!p1 [sflag:s15], $0x2000  }
0x1c: {  	s12 =	smov.u32 s9;
	[sflag:s15] =	ssyncset.done @!p1 $0x0;
	s9 =	smov.u32 s14  }
0x1d: {  	s11 =	sadd.s32 $0x1, s11;
	[sflag:s15] =	ssyncadd.s32 @!p1 $0xFFFFE000;
	s10 =	smov.u32 s16  }
.LBB1_1:
0x1e: {  	p1 =	sge.u32 s11, s5  }
0x1f: {  	s14 =	sand.u32 @!p1 $0x1FFFFFF, s9  }
0x20: {  	s15 =	smulhi.u32 @!p1 $0x147AE15, s14;
	_ =	sdelay $0x1  }
0x21: {  	s15 =	smul.u32 @!p1 $0xC8, s15  }
0x22: {  	s16 =	sxor.u32 @!p1 $0xFFFFFFFF, s11;
	s17 =	smul.u32 @!p1 $0xC80, s10  }
0x23: {  	s31 =	sadd.s32 $0xFFFFFFFF, s11;
	s16 =	sshll.u32 @!p1 s16, $0xD;
	s14 =	ssub.s32 @!p1 s14, s15  }
0x24: {  	s15 =	sand.u32 @!p1 $0x2000, s16;
	s16 =	sadd.s32 @!p1 s6, s17;
	s14 =	sshll.u32 @!p1 s14, $0x4  }
0x25: {  	s17 =	simm.s32 @!p1 $0x6400;
	s14 =	sadd.s32 @!p1 s14, s16;
	s16 =	simm.s32 @!p1 $0x40  }
0x26: {  	[tilespmem:s15], [sflag:$0x1] =	stream.strided.gather @!p1 [hbm4b:s14+s16], $0x2000, s17, s16, $0x38;
	[tilespmem:$0x8080] =	vst v63  }
0x27: {  	p1 =	sge.u32 s31, s5  }
.Ltmp2:
0x28: {  	_ = 	snop;
	(pc) =	sbr.rel @p1 .LBB1_5-.Ltmp2, $1  }
0x29: {  	_ =	sdelay $0x3  }
0x2a: {  	s14 =	simm.s32 $0x1  }
0x2b: {  	_ =	swait.ge [sflag:s4], $0x2000;
	s14 =	simm.s32 @!p0 $0x0  }
0x2c: {  	[sflag:s4] =	ssyncset.done $0x0;
	s15 =	sshll.u32 s14, $0xD  }
0x2d: {  	[sflag:s4] =	ssyncadd.s32 $0xFFFFE000;
	s18 =	sor.u32 $0x20, s15  }
0x2e: {  	s14 =	smul.u32 $0x8100, s14;
	v3 =	vld [tilespmem:s18+$0x10]  }
0x2f: {  	s30 =	sand.u32 $0x1, s11;
	v2 =	vld [tilespmem:s18+$0xFFFFFFF0]  }
0x30: {  	s15 =	smul.u32 $0x8100, s30;
	s14 =	sshrl.u32 s14, $0x2;
	v0 =	vld [tilespmem:s18+$0x0]  }
0x31: {  	v1 =	vld [tilespmem:s18+$0xFFFFFFE0];
	s16 =	sor.u32 $0x4000, s14  }
0x32: {  	s31 =	sshrl.u32 s15, $0x2;
	s15 =	sadd.s32 $0x0, s16  }
0x33: {  	s17 =	simm.s32 $0x4;
	s18 =	sadd.s32 $0x40, s18;
	s14 =	sor.u32 $0x4000, s31;
	[tilespmem:s15+$0x1830 ss:$0x81] =	vst.msk $0xffff, v3  }
.LBB1_3:
0x34: {  	v3 =	vld [tilespmem:s18+$0x10];
	p1 =	sne.s32 s17, $0x1FC;
	[tilespmem:s15+$0x810 ss:$0x81] =	vst.msk $0xffff, v2;
	s19 =	smov.u32 s17;
	s17 =	sadd.s32 $0x4, s17  }
.Ltmp3:
0x35: {  	v2 =	vld [tilespmem:s18+$0xFFFFFFF0];
	[tilespmem:s15+$0x1020 ss:$0x81] =	vst.msk $0xffff, v0;
	(pc) =	sbr.rel @p1 .LBB1_3-.Ltmp3, $4  }
0x36: {  	v0 =	vld [tilespmem:s18+$0x0];
	[tilespmem:s15+$0x0 ss:$0x81] =	vst.msk $0xffff, v1  }
0x37: {  	s15 =	sshra.s32 s19, $0x2;
	v1 =	vld [tilespmem:s18+$0xFFFFFFE0]  }
0x38: {  	s15 =	sadd.s32 s15, s16  }
0x39: {  	s18 =	sadd.s32 $0x40, s18;
	[tilespmem:s15+$0x1830 ss:$0x81] =	vst.msk $0xffff, v3  }
.Ltmp4:
0x3a: {  	_ = 	snop;
	(pc) =	sbr.rel .LBB1_4-.Ltmp4, $1  }
0x3b: {  	_ =	sdelay $0x3  }
.LBB1_6:
0x3c: {  	_ =	sfence.sel $0x180000  }
0x3d: {  	s2 =	simm.s32 $0x1;
	[bflag:$0x0] =	sbarrier.arrive $0xFFFF  }
0x3e: {  	s31 =	simm.s32 $0x2;
	[sflag:s2] =	ssyncpa.u1 $0x1  }
0x3f: {  	[sflag:s31] =	ssyncpa.u1 $0x1  }
0x40: {  	p0 =	sne.s32 s0, $0x0;
	_ =	strace $0x9000004A  }
0x41: {  	s0 =	sadd.s32 @!p0 $0x100000, s1;
	[bflag:$0x2] =	sbarrier.arrive $0xFFFF  }
0x42: {  	[sflag:s0] =	ssyncadd.tile.s32 @!p0 $0x1;
	_ =	shalt  }
.Lfunc_end1:
_tile_overlayer_lowered:
.L_overlay_start_2:
0x43: {  	(tag) =	ssettag $0x2  }
0x44: {  	s0 =	rddreg [dreg:$0x0];
	s2 =	stileid.u32  }
0x45: {  	s1 =	rddreg [dreg:$0x1];
	p0 =	sne.s32 s2, $0x0  }
0x46: {  	s3 =	rddreg [dreg:$0x2];
	[bflag:$0x3] =	sbarrier.arrive $0xFFFF;
	s2 =	simm.s32 @!p0 $0x1C01  }
0x47: {  	[timem:s3], [sflag:s2] =	dma.local @!p0 [hbm:s0], s1  }
0x48: {  	s0 =	simm.s32 @!p0 $0x1  }
0x49: {  	_ =	swait.ge @!p0 [sflag:s0], s1  }
0x4a: {  	s1 =	ssub.s32 @!p0 $0x0, s1;
	[sflag:s0] =	ssyncset.done @!p0 $0x0  }
0x4b: {  	[sflag:s0] =	ssyncadd.s32 @!p0 s1  }
0x4c: {  	[bflag:$0x3] =	sbarrier.arrive $0xFFFF  }
0x4d: {  	_ =	shalt  }

</sc_bundles>
